<compile_context>
chip_gen: v7x
topology: tpu7x:2x2x1
jax: 0.10.2.dev20260603
libtpu: 0.0.44.dev20260713+nightly
codegen_flags: <defaults>
</compile_context>

<pallas_src>
import functools

import jax
import jax.numpy as jnp
from jax import lax
from jax.experimental import pallas as pl
from jax.experimental.pallas import tpu as pltpu
from jax.experimental.pallas import tpu_sc as plsc

N = 10000
E = 320000
H = 128
C = 10

NC = 2
NS = 16
NW = NC * NS
HH = H // NC
EPW = E // NS
CH = 80
NCHUNK = 250
NBUF = 5
PAD = NCHUNK * CH - EPW
NP = 10240
RPT = NP // NS


def _sc_aggr_body(x_hbm, src_hbm, dst_hbm, zeros_hbm, out_hbm,
                  src_v, dst_v, rows_v, aggr_sh, gsem, ssem):
    c = lax.axis_index("c")
    s = lax.axis_index("s")
    wid = c * NS + s

    pltpu.async_copy(src_hbm.at[wid], src_v, gsem)
    pltpu.async_copy(dst_hbm.at[s], dst_v, gsem)
    pltpu.sync_copy(zeros_hbm, aggr_sh.at[pl.ds(s * RPT, RPT)])
    pltpu.make_async_copy(src_hbm.at[wid], src_v, gsem).wait()
    pltpu.make_async_copy(dst_hbm.at[s], dst_v, gsem).wait()

    plsc.subcore_barrier()

    def start_gather(j, b):
        pltpu.async_copy(x_hbm.at[src_v.at[j]], rows_v.at[b], gsem)

    def wait_gather(b):
        pltpu.make_async_copy(x_hbm.at[pl.ds(0, CH)], rows_v.at[b], gsem).wait()

    def start_scatter(j, b):
        pltpu.async_copy(rows_v.at[b], aggr_sh.at[dst_v.at[j]], ssem, add=True)

    def wait_scatter(b):
        pltpu.make_async_copy(x_hbm.at[pl.ds(0, CH)], rows_v.at[b], ssem).wait()

    for b0 in range(NBUF - 1):
        start_gather(b0, b0)

    def outer(i, carry):
        for b in range(NBUF):
            j = NBUF * i + b
            wait_gather(b)
            start_scatter(j, b)
            jj = j + NBUF - 1

            @pl.when(jnp.logical_and(j >= 1, jj < NCHUNK))
            def _():
                wait_scatter((b + NBUF - 1) % NBUF)

            @pl.when(jj < NCHUNK)
            def _():
                start_gather(jj, (b + NBUF - 1) % NBUF)
        return carry

    lax.fori_loop(0, NCHUNK // NBUF, outer, 0)
    for _ in range(NBUF):
        wait_scatter(0)

    plsc.subcore_barrier()

    pltpu.sync_copy(aggr_sh.at[pl.ds(s * RPT, RPT)],
                    out_hbm.at[c].at[pl.ds(s * RPT, RPT)])


@functools.cache
def _sc_aggr():
    return pl.kernel(
        _sc_aggr_body,
        out_type=jax.ShapeDtypeStruct((2, NP, HH), jnp.float32),
        mesh=plsc.VectorSubcoreMesh(core_axis_name="c", subcore_axis_name="s",
                                    num_cores=NC, num_subcores=NS),
        compiler_params=pltpu.CompilerParams(use_tc_tiling_on_sc=False),
        scratch_types=[
            pltpu.VMEM((NCHUNK, CH), jnp.int32),
            pltpu.VMEM((NCHUNK, CH), jnp.int32),
            pltpu.VMEM((NBUF, CH, HH), jnp.float32),
            pltpu.VMEM_SHARED((NP, HH), jnp.float32),
            pltpu.SemaphoreType.DMA,
            pltpu.SemaphoreType.DMA,
        ],
    )


BN = 2000
NB = N // BN


def _mlp_body(x0_ref, x1_ref, p0_ref, p1_ref, W1_ref, b1_ref, W2_ref, b2_ref,
              z_ref, stats_ref):
    i = pl.program_id(0)
    x = jnp.concatenate([x0_ref[0], x1_ref[0]], axis=1)
    aggr = jnp.concatenate([p0_ref[0], p1_ref[0]], axis=1)
    h0 = x + aggr
    a = jnp.dot(h0, W1_ref[...], preferred_element_type=jnp.float32) + b1_ref[...]
    a = jnp.maximum(a, 0.0)
    z = jnp.dot(a, W2_ref[...], preferred_element_type=jnp.float32) + b2_ref[...]
    z = jnp.maximum(z, 0.0)
    z_ref[...] = z
    s = jnp.sum(z, axis=0, keepdims=True)
    q = jnp.sum(z * z, axis=0, keepdims=True)
    st = jnp.concatenate([s, q], axis=0)

    @pl.when(i == 0)
    def _():
        stats_ref[...] = st

    @pl.when(i > 0)
    def _():
        stats_ref[...] = stats_ref[...] + st


def _mlp_call(xs3, p, W1, b1, W2, b2):
    blk = pl.BlockSpec((BN, H), lambda i: (i, 0))
    half0 = pl.BlockSpec((1, BN, HH), lambda i: (0, i, 0))
    half1 = pl.BlockSpec((1, BN, HH), lambda i: (1, i, 0))
    full = lambda shape: pl.BlockSpec(shape, lambda i: (0,) * len(shape))
    return pl.pallas_call(
        _mlp_body,
        grid=(NB,),
        in_specs=[
            half0, half1, half0, half1,
            full((H, H)), full((1, H)), full((H, H)), full((1, H)),
        ],
        out_specs=[blk, full((2, H))],
        out_shape=[
            jax.ShapeDtypeStruct((N, H), jnp.float32),
            jax.ShapeDtypeStruct((2, H), jnp.float32),
        ],
    )(xs3, xs3, p, p, W1, b1.reshape(1, H), W2, b2.reshape(1, H))


def _norm_body(z_ref, st_ref, g_ref, b_ref, o_ref):
    mu = st_ref[0:1, :] / N
    var = st_ref[1:2, :] / N - mu * mu
    inv = lax.rsqrt(var + 1e-5)
    h = g_ref[...] * (z_ref[...] - mu) * inv + b_ref[...]
    o_ref[...] = jnp.stack([h[:, :HH], h[:, HH:]], axis=0)


def _norm_call(z, st, gamma, beta):
    blk = pl.BlockSpec((BN, H), lambda i: (i, 0))
    full = lambda shape: pl.BlockSpec(shape, lambda i: (0,) * len(shape))
    return pl.pallas_call(
        _norm_body,
        grid=(NB,),
        in_specs=[blk, full((2, H)), full((1, H)), full((1, H))],
        out_specs=pl.BlockSpec((2, BN, HH), lambda i: (0, i, 0)),
        out_shape=jax.ShapeDtypeStruct((2, N, HH), jnp.float32),
    )(z, st, gamma.reshape(1, H), beta.reshape(1, H))


def _final_body(z_ref, st_ref, g_ref, b_ref, W1_ref, b1_ref, W2_ref, b2_ref,
                o_ref):
    mu = st_ref[0:1, :] / N
    var = st_ref[1:2, :] / N - mu * mu
    h = g_ref[...] * (z_ref[...] - mu) * lax.rsqrt(var + 1e-5) + b_ref[...]
    h = jnp.dot(h, W1_ref[...], preferred_element_type=jnp.float32) + b1_ref[...]
    h = jnp.maximum(h, 0.0)
    o = jnp.dot(h, W2_ref[...], preferred_element_type=jnp.float32) + b2_ref[...]
    m = jnp.max(o, axis=1, keepdims=True)
    lse = jnp.log(jnp.sum(jnp.exp(o - m), axis=1, keepdims=True)) + m
    o_ref[...] = o - lse


def _final_call(z, st, gamma, beta, fc1_W, fc1_b, fc2_W, fc2_b):
    blk = pl.BlockSpec((BN, H), lambda i: (i, 0))
    full = lambda shape: pl.BlockSpec(shape, lambda i: (0,) * len(shape))
    return pl.pallas_call(
        _final_body,
        grid=(NB,),
        in_specs=[blk, full((2, H)), full((1, H)), full((1, H)),
                  full((H, H)), full((1, H)), full((H, C)), full((1, C))],
        out_specs=pl.BlockSpec((BN, C), lambda i: (i, 0)),
        out_shape=jax.ShapeDtypeStruct((N, C), jnp.float32),
    )(z, st, gamma.reshape(1, H), beta.reshape(1, H),
      fc1_W, fc1_b.reshape(1, H), fc2_W, fc2_b.reshape(1, C))


def kernel(x, edge_index, g0_W1, g0_b1, g0_W2, g0_b2, g1_W1, g1_b1, g1_W2,
           g1_b2, bn0_gamma, bn0_beta, bn1_gamma, bn1_beta, fc1_W, fc1_b,
           fc2_W, fc2_b):
    ei = edge_index.astype(jnp.int32)
    src_r = jnp.concatenate(
        [ei[0].reshape(NS, EPW), jnp.zeros((NS, PAD), jnp.int32)],
        axis=1).reshape(NS, NCHUNK, CH)
    src3 = jnp.concatenate([src_r, src_r + N], axis=0)
    dst3 = jnp.concatenate(
        [ei[1].reshape(NS, EPW), jnp.full((NS, PAD), N, jnp.int32)],
        axis=1).reshape(NS, NCHUNK, CH)
    zeros = jnp.zeros((RPT, HH), jnp.float32)

    xs3 = jnp.stack([x[:, :HH], x[:, HH:]], axis=0)

    p = _sc_aggr()(xs3.reshape(2 * N, HH), src3, dst3, zeros)
    z, st = _mlp_call(xs3, p, g0_W1, g0_b1, g0_W2, g0_b2)
    hs3 = _norm_call(z, st, bn0_gamma, bn0_beta)

    p = _sc_aggr()(hs3.reshape(2 * N, HH), src3, dst3, zeros)
    z1, st1 = _mlp_call(hs3, p, g1_W1, g1_b1, g1_W2, g1_b2)
    return _final_call(z1, st1, bn1_gamma, bn1_beta, fc1_W, fc1_b, fc2_W, fc2_b)

# --- scband reference (transcript-rebuilt; emitter-appended) ---
"""Pipeline reference for scband-gin-64158221467926 (READ-ONLY COPY).

The authoritative reference and input builder live on the scoring server;
editing this copy changes nothing except your own understanding.
"""

import jax, jax.numpy as jnp
import numpy as np

N = 10000
E = 320000
F_IN = 128
H = 128
C = 10

def _lin_init(key, fan_in, fan_out):
    k1, k2 = jax.random.split(key)
    bound = 1.0 / np.sqrt(fan_in)
    W = jax.random.uniform(k1, (fan_in, fan_out), minval=-bound, maxval=bound, dtype=jnp.float32)
    b = jax.random.uniform(k2, (fan_out,), minval=-bound, maxval=bound, dtype=jnp.float32)
    return W, b

def setup_inputs(seed: int = 0) -> dict:
    key = jax.random.key(seed)
    ks = jax.random.split(key, 12)
    x = jax.random.normal(ks[0], (N, F_IN), dtype=jnp.float32)
    edge_index = jax.random.randint(ks[1], (2, E), 0, N, dtype=jnp.int64)
    g0_W1, g0_b1 = _lin_init(ks[2], F_IN, H)
    g0_W2, g0_b2 = _lin_init(ks[3], H, H)
    g1_W1, g1_b1 = _lin_init(ks[4], H, H)
    g1_W2, g1_b2 = _lin_init(ks[5], H, H)
    fc1_W, fc1_b = _lin_init(ks[6], H, H)
    fc2_W, fc2_b = _lin_init(ks[7], H, C)
    return {
        "x": x, "edge_index": edge_index,
        "g0_W1": g0_W1, "g0_b1": g0_b1, "g0_W2": g0_W2, "g0_b2": g0_b2,
        "g1_W1": g1_W1, "g1_b1": g1_b1, "g1_W2": g1_W2, "g1_b2": g1_b2,
        "bn0_gamma": jnp.ones((H,), jnp.float32), "bn0_beta": jnp.zeros((H,), jnp.float32),
        "bn1_gamma": jnp.ones((H,), jnp.float32), "bn1_beta": jnp.zeros((H,), jnp.float32),
        "fc1_W": fc1_W, "fc1_b": fc1_b, "fc2_W": fc2_W, "fc2_b": fc2_b,
    }

def _gin_conv(x, edge_index, W1, b1, W2, b2):
    src = edge_index[0]
    dst = edge_index[1]
    # sum aggregation of neighbor messages (scatter-add), eps = 0
    aggr = jax.ops.segment_sum(x[src], dst, num_segments=N)
    h = x + aggr
    h = jnp.maximum(h @ W1 + b1, 0.0)
    h = h @ W2 + b2
    return h

def _batch_norm(x, gamma, beta, eps=1e-5):
    mu = jnp.mean(x, axis=0)
    var = jnp.var(x, axis=0)
    return gamma * (x - mu) / jnp.sqrt(var + eps) + beta

def reference(x, edge_index, g0_W1, g0_b1, g0_W2, g0_b2, g1_W1, g1_b1, g1_W2, g1_b2,
              bn0_gamma, bn0_beta, bn1_gamma, bn1_beta, fc1_W, fc1_b, fc2_W, fc2_b):
    h = jnp.maximum(_gin_conv(x, edge_index, g0_W1, g0_b1, g0_W2, g0_b2), 0.0)
    h = _batch_norm(h, bn0_gamma, bn0_beta)
    h = jnp.maximum(_gin_conv(h, edge_index, g1_W1, g1_b1, g1_W2, g1_b2), 0.0)
    h = _batch_norm(h, bn1_gamma, bn1_beta)
    # pooling_type=None, readout_type=None -> no pooling / readout
    h = jnp.maximum(h @ fc1_W + fc1_b, 0.0)
    # dropout is identity in deterministic reference
    h = h @ fc2_W + fc2_b
    return jax.nn.log_softmax(h, axis=-1)

if __name__ == "__main__":
    import jax
    _d = setup_inputs()
    print(jax.jit(kernel)(*tuple(_d.values())))

</pallas_src>

<mosaic_0001>
#map = affine_map<(d0, d1) -> (0, 0)>
#map1 = affine_map<(d0, d1) -> (0, 0, 0)>
module attributes {stable_mosaic.version = 14 : i64} {
  func.func @_sc_aggr_body(%arg0: i32, %arg1: i32, %arg2: memref<20000x64xf32, #tpu.memory_space<hbm>>, %arg3: memref<32x250x80xi32, #tpu.memory_space<hbm>>, %arg4: memref<16x250x80xi32, #tpu.memory_space<hbm>>, %arg5: memref<640x64xf32, #tpu.memory_space<hbm>>, %arg6: memref<2x10240x64xf32, #tpu.memory_space<hbm>>, %arg7: memref<250x80xi32, #tpu.memory_space<vmem>>, %arg8: memref<250x80xi32, #tpu.memory_space<vmem>>, %arg9: memref<5x80x64xf32, #tpu.memory_space<vmem>>, %arg10: memref<10240x64xf32, #tpu.memory_space<vmem_shared>>, %arg11: memref<!tpu.dma_semaphore, #tpu.memory_space<semaphore_mem>>, %arg12: memref<!tpu.dma_semaphore, #tpu.memory_space<semaphore_mem>>) attributes {dimension_semantics = [#tpu.dimension_semantics<core_parallel>, #tpu.dimension_semantics<subcore_parallel>], iteration_bounds = array<i64: 2, 16>, scalar_prefetch = 0 : i64, scratch_operands = 6 : i64, tpu.core_type = #tpu.core_type<sc_vector_subcore>, window_params = [{transform_indices = #map}, {transform_indices = #map1}, {transform_indices = #map1}, {transform_indices = #map}, {transform_indices = #map1}]} {
    %mul3A = arith.constant 16 : i32
    %mul3A_0 = arith.muli %arg0, %mul3A : i32
    %add3A = arith.addi %mul3A_0, %arg1 : i32
    %dma_start3A = arith.constant 0 : i32
    %dma_start3A_1 = arith.constant 0 : i32
    %dma_start3A_2 = tpu.memref_slice %arg3[%add3A, %dma_start3A, %dma_start3A_1] : memref<32x250x80xi32, #tpu.memory_space<hbm>> -> memref<1x250x80xi32, #tpu.memory_space<hbm>>
    %dma_start3A_3 = tpu.memref_squeeze %dma_start3A_2 : memref<1x250x80xi32, #tpu.memory_space<hbm>> -> memref<250x80xi32, #tpu.memory_space<hbm>>
    %dma_start3A_4 = arith.constant 0 : i32
    %dma_start3A_5 = arith.constant 0 : i32
    %dma_start3A_6 = tpu.memref_slice %arg3[%add3A, %dma_start3A_4, %dma_start3A_5] : memref<32x250x80xi32, #tpu.memory_space<hbm>> -> memref<1x250x80xi32, #tpu.memory_space<hbm>>
    %dma_start3A_7 = tpu.memref_squeeze %dma_start3A_6 : memref<1x250x80xi32, #tpu.memory_space<hbm>> -> memref<250x80xi32, #tpu.memory_space<hbm>>
    tpu.enqueue_dma source(%dma_start3A_7 : memref<250x80xi32, #tpu.memory_space<hbm>>) target(%arg7 : memref<250x80xi32, #tpu.memory_space<vmem>>) target_semaphore(%arg11 : memref<!tpu.dma_semaphore, #tpu.memory_space<semaphore_mem>>)
    %dma_start3A_8 = arith.constant 0 : i32
    %dma_start3A_9 = arith.constant 0 : i32
    %dma_start3A_10 = tpu.memref_slice %arg4[%arg1, %dma_start3A_8, %dma_start3A_9] : memref<16x250x80xi32, #tpu.memory_space<hbm>> -> memref<1x250x80xi32, #tpu.memory_space<hbm>>
    %dma_start3A_11 = tpu.memref_squeeze %dma_start3A_10 : memref<1x250x80xi32, #tpu.memory_space<hbm>> -> memref<250x80xi32, #tpu.memory_space<hbm>>
    %dma_start3A_12 = arith.constant 0 : i32
    %dma_start3A_13 = arith.constant 0 : i32
    %dma_start3A_14 = tpu.memref_slice %arg4[%arg1, %dma_start3A_12, %dma_start3A_13] : memref<16x250x80xi32, #tpu.memory_space<hbm>> -> memref<1x250x80xi32, #tpu.memory_space<hbm>>
    %dma_start3A_15 = tpu.memref_squeeze %dma_start3A_14 : memref<1x250x80xi32, #tpu.memory_space<hbm>> -> memref<250x80xi32, #tpu.memory_space<hbm>>
    tpu.enqueue_dma source(%dma_start3A_15 : memref<250x80xi32, #tpu.memory_space<hbm>>) target(%arg8 : memref<250x80xi32, #tpu.memory_space<vmem>>) target_semaphore(%arg11 : memref<!tpu.dma_semaphore, #tpu.memory_space<semaphore_mem>>)
    %mul3A_16 = arith.constant 640 : i32
    %mul3A_17 = arith.muli %arg1, %mul3A_16 : i32
    "tpu.region"() ({
      %run_scoped3A = tpu.sem_alloc : memref<!tpu.dma_semaphore, #tpu.memory_space<semaphore_mem>>
      %dma_start3A_166 = arith.constant 0 : i32
      %dma_start3A_167 = tpu.memref_slice %arg10[%mul3A_17, %dma_start3A_166] : memref<10240x64xf32, #tpu.memory_space<vmem_shared>> -> memref<640x64xf32, #tpu.memory_space<vmem_shared>>
      tpu.enqueue_dma source(%arg5 : memref<640x64xf32, #tpu.memory_space<hbm>>) target(%dma_start3A_167 : memref<640x64xf32, #tpu.memory_space<vmem_shared>>) target_semaphore(%run_scoped3A : memref<!tpu.dma_semaphore, #tpu.memory_space<semaphore_mem>>)
      %dma_wait3A_168 = arith.constant 0 : i32
      %dma_wait3A_169 = tpu.memref_slice %arg10[%mul3A_17, %dma_wait3A_168] : memref<10240x64xf32, #tpu.memory_space<vmem_shared>> -> memref<640x64xf32, #tpu.memory_space<vmem_shared>>
      tpu.wait_dma2 semaphore(%run_scoped3A : memref<!tpu.dma_semaphore, #tpu.memory_space<semaphore_mem>>) src(%arg5 : memref<640x64xf32, #tpu.memory_space<hbm>>) dst(%dma_wait3A_169 : memref<640x64xf32, #tpu.memory_space<vmem_shared>>)
      tpu.yield
    }) : () -> ()
    %dma_wait3A = arith.constant 0 : i32
    %dma_wait3A_18 = arith.constant 0 : i32
    %dma_wait3A_19 = tpu.memref_slice %arg3[%add3A, %dma_wait3A, %dma_wait3A_18] : memref<32x250x80xi32, #tpu.memory_space<hbm>> -> memref<1x250x80xi32, #tpu.memory_space<hbm>>
    %dma_wait3A_20 = tpu.memref_squeeze %dma_wait3A_19 : memref<1x250x80xi32, #tpu.memory_space<hbm>> -> memref<250x80xi32, #tpu.memory_space<hbm>>
    %dma_wait3A_21 = arith.constant 0 : i32
    %dma_wait3A_22 = arith.constant 0 : i32
    %dma_wait3A_23 = tpu.memref_slice %arg3[%add3A, %dma_wait3A_21, %dma_wait3A_22] : memref<32x250x80xi32, #tpu.memory_space<hbm>> -> memref<1x250x80xi32, #tpu.memory_space<hbm>>
    %dma_wait3A_24 = tpu.memref_squeeze %dma_wait3A_23 : memref<1x250x80xi32, #tpu.memory_space<hbm>> -> memref<250x80xi32, #tpu.memory_space<hbm>>
    tpu.wait_dma2 semaphore(%arg11 : memref<!tpu.dma_semaphore, #tpu.memory_space<semaphore_mem>>) src(%dma_wait3A_24 : memref<250x80xi32, #tpu.memory_space<hbm>>) dst(%arg7 : memref<250x80xi32, #tpu.memory_space<vmem>>)
    %dma_wait3A_25 = arith.constant 0 : i32
    %dma_wait3A_26 = arith.constant 0 : i32
    %dma_wait3A_27 = tpu.memref_slice %arg4[%arg1, %dma_wait3A_25, %dma_wait3A_26] : memref<16x250x80xi32, #tpu.memory_space<hbm>> -> memref<1x250x80xi32, #tpu.memory_space<hbm>>
    %dma_wait3A_28 = tpu.memref_squeeze %dma_wait3A_27 : memref<1x250x80xi32, #tpu.memory_space<hbm>> -> memref<250x80xi32, #tpu.memory_space<hbm>>
    %dma_wait3A_29 = arith.constant 0 : i32
    %dma_wait3A_30 = arith.constant 0 : i32
    %dma_wait3A_31 = tpu.memref_slice %arg4[%arg1, %dma_wait3A_29, %dma_wait3A_30] : memref<16x250x80xi32, #tpu.memory_space<hbm>> -> memref<1x250x80xi32, #tpu.memory_space<hbm>>
    %dma_wait3A_32 = tpu.memref_squeeze %dma_wait3A_31 : memref<1x250x80xi32, #tpu.memory_space<hbm>> -> memref<250x80xi32, #tpu.memory_space<hbm>>
    tpu.wait_dma2 semaphore(%arg11 : memref<!tpu.dma_semaphore, #tpu.memory_space<semaphore_mem>>) src(%dma_wait3A_32 : memref<250x80xi32, #tpu.memory_space<hbm>>) dst(%arg8 : memref<250x80xi32, #tpu.memory_space<vmem>>)
    %barrier3A = arith.constant 0 : index
    tpu.barrier barrier_id(%barrier3A)
    %dma_start3A_33 = arith.constant 0 : i32
    %dma_start3A_34 = arith.constant 0 : i32
    %dma_start3A_35 = arith.constant 0 : i32
    %dma_start3A_36 = arith.constant 0 : i32
    %dma_start3A_37 = tpu.memref_slice %arg9[%dma_start3A_34, %dma_start3A_35, %dma_start3A_36] : memref<5x80x64xf32, #tpu.memory_space<vmem>> -> memref<1x80x64xf32, #tpu.memory_space<vmem>>
    %dma_start3A_38 = tpu.memref_squeeze %dma_start3A_37 : memref<1x80x64xf32, #tpu.memory_space<vmem>> -> memref<80x64xf32, #tpu.memory_space<vmem>>
    %dma_start3A_39 = arith.constant 0 : i32
    %dma_start3A_40 = tpu.memref_slice %arg7[%dma_start3A_33, %dma_start3A_39] : memref<250x80xi32, #tpu.memory_space<vmem>> -> memref<1x80xi32, #tpu.memory_space<vmem>>
    %dma_start3A_41 = tpu.memref_squeeze %dma_start3A_40 : memref<1x80xi32, #tpu.memory_space<vmem>> -> memref<80xi32, #tpu.memory_space<vmem>>
    %dma_start3A_42 = arith.constant 0 : i32
    %dma_start3A_43 = arith.constant 0 : i32
    %dma_start3A_44 = tpu.memref_slice %arg2[%dma_start3A_42, %dma_start3A_43] : memref<20000x64xf32, #tpu.memory_space<hbm>> -> memref<20000x64xf32, #tpu.memory_space<hbm>>
    tpu.enqueue_indirect_dma source(%dma_start3A_44 : memref<20000x64xf32, #tpu.memory_space<hbm>>) target(%dma_start3A_38 : memref<80x64xf32, #tpu.memory_space<vmem>>) offsets(%dma_start3A_41 : memref<80xi32, #tpu.memory_space<vmem>>) semaphore(%arg11 : memref<!tpu.dma_semaphore, #tpu.memory_space<semaphore_mem>>)
    %dma_start3A_45 = arith.constant 1 : i32
    %dma_start3A_46 = arith.constant 1 : i32
    %dma_start3A_47 = arith.constant 0 : i32
    %dma_start3A_48 = arith.constant 0 : i32
    %dma_start3A_49 = tpu.memref_slice %arg9[%dma_start3A_46, %dma_start3A_47, %dma_start3A_48] : memref<5x80x64xf32, #tpu.memory_space<vmem>> -> memref<1x80x64xf32, #tpu.memory_space<vmem>>
    %dma_start3A_50 = tpu.memref_squeeze %dma_start3A_49 : memref<1x80x64xf32, #tpu.memory_space<vmem>> -> memref<80x64xf32, #tpu.memory_space<vmem>>
    %dma_start3A_51 = arith.constant 0 : i32
    %dma_start3A_52 = tpu.memref_slice %arg7[%dma_start3A_45, %dma_start3A_51] : memref<250x80xi32, #tpu.memory_space<vmem>> -> memref<1x80xi32, #tpu.memory_space<vmem>>
    %dma_start3A_53 = tpu.memref_squeeze %dma_start3A_52 : memref<1x80xi32, #tpu.memory_space<vmem>> -> memref<80xi32, #tpu.memory_space<vmem>>
    %dma_start3A_54 = arith.constant 0 : i32
    %dma_start3A_55 = arith.constant 0 : i32
    %dma_start3A_56 = tpu.memref_slice %arg2[%dma_start3A_54, %dma_start3A_55] : memref<20000x64xf32, #tpu.memory_space<hbm>> -> memref<20000x64xf32, #tpu.memory_space<hbm>>
    tpu.enqueue_indirect_dma source(%dma_start3A_56 : memref<20000x64xf32, #tpu.memory_space<hbm>>) target(%dma_start3A_50 : memref<80x64xf32, #tpu.memory_space<vmem>>) offsets(%dma_start3A_53 : memref<80xi32, #tpu.memory_space<vmem>>) semaphore(%arg11 : memref<!tpu.dma_semaphore, #tpu.memory_space<semaphore_mem>>)
    %dma_start3A_57 = arith.constant 2 : i32
    %dma_start3A_58 = arith.constant 2 : i32
    %dma_start3A_59 = arith.constant 0 : i32
    %dma_start3A_60 = arith.constant 0 : i32
    %dma_start3A_61 = tpu.memref_slice %arg9[%dma_start3A_58, %dma_start3A_59, %dma_start3A_60] : memref<5x80x64xf32, #tpu.memory_space<vmem>> -> memref<1x80x64xf32, #tpu.memory_space<vmem>>
    %dma_start3A_62 = tpu.memref_squeeze %dma_start3A_61 : memref<1x80x64xf32, #tpu.memory_space<vmem>> -> memref<80x64xf32, #tpu.memory_space<vmem>>
    %dma_start3A_63 = arith.constant 0 : i32
    %dma_start3A_64 = tpu.memref_slice %arg7[%dma_start3A_57, %dma_start3A_63] : memref<250x80xi32, #tpu.memory_space<vmem>> -> memref<1x80xi32, #tpu.memory_space<vmem>>
    %dma_start3A_65 = tpu.memref_squeeze %dma_start3A_64 : memref<1x80xi32, #tpu.memory_space<vmem>> -> memref<80xi32, #tpu.memory_space<vmem>>
    %dma_start3A_66 = arith.constant 0 : i32
    %dma_start3A_67 = arith.constant 0 : i32
    %dma_start3A_68 = tpu.memref_slice %arg2[%dma_start3A_66, %dma_start3A_67] : memref<20000x64xf32, #tpu.memory_space<hbm>> -> memref<20000x64xf32, #tpu.memory_space<hbm>>
    tpu.enqueue_indirect_dma source(%dma_start3A_68 : memref<20000x64xf32, #tpu.memory_space<hbm>>) target(%dma_start3A_62 : memref<80x64xf32, #tpu.memory_space<vmem>>) offsets(%dma_start3A_65 : memref<80xi32, #tpu.memory_space<vmem>>) semaphore(%arg11 : memref<!tpu.dma_semaphore, #tpu.memory_space<semaphore_mem>>)
    %dma_start3A_69 = arith.constant 3 : i32
    %dma_start3A_70 = arith.constant 3 : i32
    %dma_start3A_71 = arith.constant 0 : i32
    %dma_start3A_72 = arith.constant 0 : i32
    %dma_start3A_73 = tpu.memref_slice %arg9[%dma_start3A_70, %dma_start3A_71, %dma_start3A_72] : memref<5x80x64xf32, #tpu.memory_space<vmem>> -> memref<1x80x64xf32, #tpu.memory_space<vmem>>
    %dma_start3A_74 = tpu.memref_squeeze %dma_start3A_73 : memref<1x80x64xf32, #tpu.memory_space<vmem>> -> memref<80x64xf32, #tpu.memory_space<vmem>>
    %dma_start3A_75 = arith.constant 0 : i32
    %dma_start3A_76 = tpu.memref_slice %arg7[%dma_start3A_69, %dma_start3A_75] : memref<250x80xi32, #tpu.memory_space<vmem>> -> memref<1x80xi32, #tpu.memory_space<vmem>>
    %dma_start3A_77 = tpu.memref_squeeze %dma_start3A_76 : memref<1x80xi32, #tpu.memory_space<vmem>> -> memref<80xi32, #tpu.memory_space<vmem>>
    %dma_start3A_78 = arith.constant 0 : i32
    %dma_start3A_79 = arith.constant 0 : i32
    %dma_start3A_80 = tpu.memref_slice %arg2[%dma_start3A_78, %dma_start3A_79] : memref<20000x64xf32, #tpu.memory_space<hbm>> -> memref<20000x64xf32, #tpu.memory_space<hbm>>
    tpu.enqueue_indirect_dma source(%dma_start3A_80 : memref<20000x64xf32, #tpu.memory_space<hbm>>) target(%dma_start3A_74 : memref<80x64xf32, #tpu.memory_space<vmem>>) offsets(%dma_start3A_77 : memref<80xi32, #tpu.memory_space<vmem>>) semaphore(%arg11 : memref<!tpu.dma_semaphore, #tpu.memory_space<semaphore_mem>>)
    %scan3A = arith.constant 0 : i32
    %scan3A_81 = arith.constant 0 : i32
    %scan3A_82 = arith.constant 50 : i32
    %scan3A_83 = arith.addi %scan3A_81, %scan3A_82 : i32
    %scan3A_84 = arith.constant 1 : i32
    scf.for %scan3A_166 = %scan3A_81 to %scan3A_83 step %scan3A_84  : i32 {
      %mul3A_167 = arith.constant 5 : i32
      %mul3A_168 = arith.muli %mul3A_167, %scan3A_166 : i32
      %add3A_169 = arith.constant 0 : i32
      %add3A_170 = arith.addi %mul3A_168, %add3A_169 : i32
      %dma_wait3A_171 = arith.constant 0 : i32
      %dma_wait3A_172 = arith.constant 0 : i32
      %dma_wait3A_173 = arith.constant 0 : i32
      %dma_wait3A_174 = tpu.memref_slice %arg9[%dma_wait3A_171, %dma_wait3A_172, %dma_wait3A_173] : memref<5x80x64xf32, #tpu.memory_space<vmem>> -> memref<1x80x64xf32, #tpu.memory_space<vmem>>
      %dma_wait3A_175 = tpu.memref_squeeze %dma_wait3A_174 : memref<1x80x64xf32, #tpu.memory_space<vmem>> -> memref<80x64xf32, #tpu.memory_space<vmem>>
      %dma_wait3A_176 = arith.constant 0 : i32
      %dma_wait3A_177 = arith.constant 0 : i32
      %dma_wait3A_178 = tpu.memref_slice %arg2[%dma_wait3A_176, %dma_wait3A_177] : memref<20000x64xf32, #tpu.memory_space<hbm>> -> memref<80x64xf32, #tpu.memory_space<hbm>>
      %dma_wait3A_179 = arith.constant 0 : i32
      %dma_wait3A_180 = arith.constant 0 : i32
      %dma_wait3A_181 = tpu.memref_slice %arg9[%dma_wait3A_171, %dma_wait3A_179, %dma_wait3A_180] : memref<5x80x64xf32, #tpu.memory_space<vmem>> -> memref<1x80x64xf32, #tpu.memory_space<vmem>>
      %dma_wait3A_182 = tpu.memref_squeeze %dma_wait3A_181 : memref<1x80x64xf32, #tpu.memory_space<vmem>> -> memref<80x64xf32, #tpu.memory_space<vmem>>
      %dma_wait3A_183 = arith.constant 0 : i32
      %dma_wait3A_184 = arith.constant 0 : i32
      %dma_wait3A_185 = tpu.memref_slice %arg2[%dma_wait3A_183, %dma_wait3A_184] : memref<20000x64xf32, #tpu.memory_space<hbm>> -> memref<80x64xf32, #tpu.memory_space<hbm>>
      tpu.wait_dma2 semaphore(%arg11 : memref<!tpu.dma_semaphore, #tpu.memory_space<semaphore_mem>>) src(%dma_wait3A_185 : memref<80x64xf32, #tpu.memory_space<hbm>>) dst(%dma_wait3A_182 : memref<80x64xf32, #tpu.memory_space<vmem>>)
      %dma_start3A_186 = arith.constant 0 : i32
      %dma_start3A_187 = arith.constant 0 : i32
      %dma_start3A_188 = arith.constant 0 : i32
      %dma_start3A_189 = tpu.memref_slice %arg9[%dma_start3A_186, %dma_start3A_187, %dma_start3A_188] : memref<5x80x64xf32, #tpu.memory_space<vmem>> -> memref<1x80x64xf32, #tpu.memory_space<vmem>>
      %dma_start3A_190 = tpu.memref_squeeze %dma_start3A_189 : memref<1x80x64xf32, #tpu.memory_space<vmem>> -> memref<80x64xf32, #tpu.memory_space<vmem>>
      %dma_start3A_191 = arith.constant 0 : i32
      %dma_start3A_192 = tpu.memref_slice %arg8[%add3A_170, %dma_start3A_191] : memref<250x80xi32, #tpu.memory_space<vmem>> -> memref<1x80xi32, #tpu.memory_space<vmem>>
      %dma_start3A_193 = tpu.memref_squeeze %dma_start3A_192 : memref<1x80xi32, #tpu.memory_space<vmem>> -> memref<80xi32, #tpu.memory_space<vmem>>
      %dma_start3A_194 = arith.constant 0 : i32
      %dma_start3A_195 = arith.constant 0 : i32
      %dma_start3A_196 = tpu.memref_slice %arg10[%dma_start3A_194, %dma_start3A_195] : memref<10240x64xf32, #tpu.memory_space<vmem_shared>> -> memref<10240x64xf32, #tpu.memory_space<vmem_shared>>
      tpu.enqueue_indirect_dma source(%dma_start3A_190 : memref<80x64xf32, #tpu.memory_space<vmem>>) target(%dma_start3A_196 : memref<10240x64xf32, #tpu.memory_space<vmem_shared>>) offsets(%dma_start3A_193 : memref<80xi32, #tpu.memory_space<vmem>>) semaphore(%arg12 : memref<!tpu.dma_semaphore, #tpu.memory_space<semaphore_mem>>) {add = true}
      %add3A_197 = arith.constant 5 : i32
      %add3A_198 = arith.addi %add3A_170, %add3A_197 : i32
      %sub3A = arith.constant 1 : i32
      %sub3A_199 = arith.subi %add3A_198, %sub3A : i32
      %ge3A = arith.constant 1 : i32
      %ge3A_200 = arith.cmpi sge, %add3A_170, %ge3A : i32
      %lt3A = arith.constant 250 : i32
      %lt3A_201 = arith.cmpi slt, %sub3A_199, %lt3A : i32
      %and3A = arith.andi %ge3A_200, %lt3A_201 : i1
      %convert_element_type3A = arith.extui %and3A : i1 to i32
      %cond3A = arith.constant 0 : i32
      %cond3A_202 = arith.cmpi ne, %convert_element_type3A, %cond3A : i32
      scf.if %cond3A_202 {
        %dma_wait3A_396 = arith.constant 4 : i32
        %dma_wait3A_397 = arith.constant 0 : i32
        %dma_wait3A_398 = arith.constant 0 : i32
        %dma_wait3A_399 = tpu.memref_slice %arg9[%dma_wait3A_396, %dma_wait3A_397, %dma_wait3A_398] : memref<5x80x64xf32, #tpu.memory_space<vmem>> -> memref<1x80x64xf32, #tpu.memory_space<vmem>>
        %dma_wait3A_400 = tpu.memref_squeeze %dma_wait3A_399 : memref<1x80x64xf32, #tpu.memory_space<vmem>> -> memref<80x64xf32, #tpu.memory_space<vmem>>
        %dma_wait3A_401 = arith.constant 0 : i32
        %dma_wait3A_402 = arith.constant 0 : i32
        %dma_wait3A_403 = tpu.memref_slice %arg2[%dma_wait3A_401, %dma_wait3A_402] : memref<20000x64xf32, #tpu.memory_space<hbm>> -> memref<80x64xf32, #tpu.memory_space<hbm>>
        %dma_wait3A_404 = arith.constant 0 : i32
        %dma_wait3A_405 = arith.constant 0 : i32
        %dma_wait3A_406 = tpu.memref_slice %arg9[%dma_wait3A_396, %dma_wait3A_404, %dma_wait3A_405] : memref<5x80x64xf32, #tpu.memory_space<vmem>> -> memref<1x80x64xf32, #tpu.memory_space<vmem>>
        %dma_wait3A_407 = tpu.memref_squeeze %dma_wait3A_406 : memref<1x80x64xf32, #tpu.memory_space<vmem>> -> memref<80x64xf32, #tpu.memory_space<vmem>>
        %dma_wait3A_408 = arith.constant 0 : i32
        %dma_wait3A_409 = arith.constant 0 : i32
        %dma_wait3A_410 = tpu.memref_slice %arg2[%dma_wait3A_408, %dma_wait3A_409] : memref<20000x64xf32, #tpu.memory_space<hbm>> -> memref<80x64xf32, #tpu.memory_space<hbm>>
        tpu.wait_dma2 semaphore(%arg12 : memref<!tpu.dma_semaphore, #tpu.memory_space<semaphore_mem>>) src(%dma_wait3A_410 : memref<80x64xf32, #tpu.memory_space<hbm>>) dst(%dma_wait3A_407 : memref<80x64xf32, #tpu.memory_space<vmem>>)
      } else {
      }
      %lt3A_203 = arith.constant 250 : i32
      %lt3A_204 = arith.cmpi slt, %sub3A_199, %lt3A_203 : i32
      %convert_element_type3A_205 = arith.extui %lt3A_204 : i1 to i32
      %cond3A_206 = arith.constant 0 : i32
      %cond3A_207 = arith.cmpi ne, %convert_element_type3A_205, %cond3A_206 : i32
      scf.if %cond3A_207 {
        %dma_start3A_396 = arith.constant 4 : i32
        %dma_start3A_397 = arith.constant 0 : i32
        %dma_start3A_398 = arith.constant 0 : i32
        %dma_start3A_399 = tpu.memref_slice %arg9[%dma_start3A_396, %dma_start3A_397, %dma_start3A_398] : memref<5x80x64xf32, #tpu.memory_space<vmem>> -> memref<1x80x64xf32, #tpu.memory_space<vmem>>
        %dma_start3A_400 = tpu.memref_squeeze %dma_start3A_399 : memref<1x80x64xf32, #tpu.memory_space<vmem>> -> memref<80x64xf32, #tpu.memory_space<vmem>>
        %dma_start3A_401 = arith.constant 0 : i32
        %dma_start3A_402 = tpu.memref_slice %arg7[%sub3A_199, %dma_start3A_401] : memref<250x80xi32, #tpu.memory_space<vmem>> -> memref<1x80xi32, #tpu.memory_space<vmem>>
        %dma_start3A_403 = tpu.memref_squeeze %dma_start3A_402 : memref<1x80xi32, #tpu.memory_space<vmem>> -> memref<80xi32, #tpu.memory_space<vmem>>
        %dma_start3A_404 = arith.constant 0 : i32
        %dma_start3A_405 = arith.constant 0 : i32
        %dma_start3A_406 = tpu.memref_slice %arg2[%dma_start3A_404, %dma_start3A_405] : memref<20000x64xf32, #tpu.memory_space<hbm>> -> memref<20000x64xf32, #tpu.memory_space<hbm>>
        tpu.enqueue_indirect_dma source(%dma_start3A_406 : memref<20000x64xf32, #tpu.memory_space<hbm>>) target(%dma_start3A_400 : memref<80x64xf32, #tpu.memory_space<vmem>>) offsets(%dma_start3A_403 : memref<80xi32, #tpu.memory_space<vmem>>) semaphore(%arg11 : memref<!tpu.dma_semaphore, #tpu.memory_space<semaphore_mem>>)
      } else {
      }
      %mul3A_208 = arith.constant 5 : i32
      %mul3A_209 = arith.muli %mul3A_208, %scan3A_166 : i32
      %add3A_210 = arith.constant 1 : i32
      %add3A_211 = arith.addi %mul3A_209, %add3A_210 : i32
      %dma_wait3A_212 = arith.constant 1 : i32
      %dma_wait3A_213 = arith.constant 0 : i32
      %dma_wait3A_214 = arith.constant 0 : i32
      %dma_wait3A_215 = tpu.memref_slice %arg9[%dma_wait3A_212, %dma_wait3A_213, %dma_wait3A_214] : memref<5x80x64xf32, #tpu.memory_space<vmem>> -> memref<1x80x64xf32, #tpu.memory_space<vmem>>
      %dma_wait3A_216 = tpu.memref_squeeze %dma_wait3A_215 : memref<1x80x64xf32, #tpu.memory_space<vmem>> -> memref<80x64xf32, #tpu.memory_space<vmem>>
      %dma_wait3A_217 = arith.constant 0 : i32
      %dma_wait3A_218 = arith.constant 0 : i32
      %dma_wait3A_219 = tpu.memref_slice %arg2[%dma_wait3A_217, %dma_wait3A_218] : memref<20000x64xf32, #tpu.memory_space<hbm>> -> memref<80x64xf32, #tpu.memory_space<hbm>>
      %dma_wait3A_220 = arith.constant 0 : i32
      %dma_wait3A_221 = arith.constant 0 : i32
      %dma_wait3A_222 = tpu.memref_slice %arg9[%dma_wait3A_212, %dma_wait3A_220, %dma_wait3A_221] : memref<5x80x64xf32, #tpu.memory_space<vmem>> -> memref<1x80x64xf32, #tpu.memory_space<vmem>>
      %dma_wait3A_223 = tpu.memref_squeeze %dma_wait3A_222 : memref<1x80x64xf32, #tpu.memory_space<vmem>> -> memref<80x64xf32, #tpu.memory_space<vmem>>
      %dma_wait3A_224 = arith.constant 0 : i32
      %dma_wait3A_225 = arith.constant 0 : i32
      %dma_wait3A_226 = tpu.memref_slice %arg2[%dma_wait3A_224, %dma_wait3A_225] : memref<20000x64xf32, #tpu.memory_space<hbm>> -> memref<80x64xf32, #tpu.memory_space<hbm>>
      tpu.wait_dma2 semaphore(%arg11 : memref<!tpu.dma_semaphore, #tpu.memory_space<semaphore_mem>>) src(%dma_wait3A_226 : memref<80x64xf32, #tpu.memory_space<hbm>>) dst(%dma_wait3A_223 : memref<80x64xf32, #tpu.memory_space<vmem>>)
      %dma_start3A_227 = arith.constant 1 : i32
      %dma_start3A_228 = arith.constant 0 : i32
      %dma_start3A_229 = arith.constant 0 : i32
      %dma_start3A_230 = tpu.memref_slice %arg9[%dma_start3A_227, %dma_start3A_228, %dma_start3A_229] : memref<5x80x64xf32, #tpu.memory_space<vmem>> -> memref<1x80x64xf32, #tpu.memory_space<vmem>>
      %dma_start3A_231 = tpu.memref_squeeze %dma_start3A_230 : memref<1x80x64xf32, #tpu.memory_space<vmem>> -> memref<80x64xf32, #tpu.memory_space<vmem>>
      %dma_start3A_232 = arith.constant 0 : i32
      %dma_start3A_233 = tpu.memref_slice %arg8[%add3A_211, %dma_start3A_232] : memref<250x80xi32, #tpu.memory_space<vmem>> -> memref<1x80xi32, #tpu.memory_space<vmem>>
      %dma_start3A_234 = tpu.memref_squeeze %dma_start3A_233 : memref<1x80xi32, #tpu.memory_space<vmem>> -> memref<80xi32, #tpu.memory_space<vmem>>
      %dma_start3A_235 = arith.constant 0 : i32
      %dma_start3A_236 = arith.constant 0 : i32
      %dma_start3A_237 = tpu.memref_slice %arg10[%dma_start3A_235, %dma_start3A_236] : memref<10240x64xf32, #tpu.memory_space<vmem_shared>> -> memref<10240x64xf32, #tpu.memory_space<vmem_shared>>
      tpu.enqueue_indirect_dma source(%dma_start3A_231 : memref<80x64xf32, #tpu.memory_space<vmem>>) target(%dma_start3A_237 : memref<10240x64xf32, #tpu.memory_space<vmem_shared>>) offsets(%dma_start3A_234 : memref<80xi32, #tpu.memory_space<vmem>>) semaphore(%arg12 : memref<!tpu.dma_semaphore, #tpu.memory_space<semaphore_mem>>) {add = true}
      %add3A_238 = arith.constant 5 : i32
      %add3A_239 = arith.addi %add3A_211, %add3A_238 : i32
      %sub3A_240 = arith.constant 1 : i32
      %sub3A_241 = arith.subi %add3A_239, %sub3A_240 : i32
      %ge3A_242 = arith.constant 1 : i32
      %ge3A_243 = arith.cmpi sge, %add3A_211, %ge3A_242 : i32
      %lt3A_244 = arith.constant 250 : i32
      %lt3A_245 = arith.cmpi slt, %sub3A_241, %lt3A_244 : i32
      %and3A_246 = arith.andi %ge3A_243, %lt3A_245 : i1
      %convert_element_type3A_247 = arith.extui %and3A_246 : i1 to i32
      %cond3A_248 = arith.constant 0 : i32
      %cond3A_249 = arith.cmpi ne, %convert_element_type3A_247, %cond3A_248 : i32
      scf.if %cond3A_249 {
        %dma_wait3A_396 = arith.constant 0 : i32
        %dma_wait3A_397 = arith.constant 0 : i32
        %dma_wait3A_398 = arith.constant 0 : i32
        %dma_wait3A_399 = tpu.memref_slice %arg9[%dma_wait3A_396, %dma_wait3A_397, %dma_wait3A_398] : memref<5x80x64xf32, #tpu.memory_space<vmem>> -> memref<1x80x64xf32, #tpu.memory_space<vmem>>
        %dma_wait3A_400 = tpu.memref_squeeze %dma_wait3A_399 : memref<1x80x64xf32, #tpu.memory_space<vmem>> -> memref<80x64xf32, #tpu.memory_space<vmem>>
        %dma_wait3A_401 = arith.constant 0 : i32
        %dma_wait3A_402 = arith.constant 0 : i32
        %dma_wait3A_403 = tpu.memref_slice %arg2[%dma_wait3A_401, %dma_wait3A_402] : memref<20000x64xf32, #tpu.memory_space<hbm>> -> memref<80x64xf32, #tpu.memory_space<hbm>>
        %dma_wait3A_404 = arith.constant 0 : i32
        %dma_wait3A_405 = arith.constant 0 : i32
        %dma_wait3A_406 = tpu.memref_slice %arg9[%dma_wait3A_396, %dma_wait3A_404, %dma_wait3A_405] : memref<5x80x64xf32, #tpu.memory_space<vmem>> -> memref<1x80x64xf32, #tpu.memory_space<vmem>>
        %dma_wait3A_407 = tpu.memref_squeeze %dma_wait3A_406 : memref<1x80x64xf32, #tpu.memory_space<vmem>> -> memref<80x64xf32, #tpu.memory_space<vmem>>
        %dma_wait3A_408 = arith.constant 0 : i32
        %dma_wait3A_409 = arith.constant 0 : i32
        %dma_wait3A_410 = tpu.memref_slice %arg2[%dma_wait3A_408, %dma_wait3A_409] : memref<20000x64xf32, #tpu.memory_space<hbm>> -> memref<80x64xf32, #tpu.memory_space<hbm>>
        tpu.wait_dma2 semaphore(%arg12 : memref<!tpu.dma_semaphore, #tpu.memory_space<semaphore_mem>>) src(%dma_wait3A_410 : memref<80x64xf32, #tpu.memory_space<hbm>>) dst(%dma_wait3A_407 : memref<80x64xf32, #tpu.memory_space<vmem>>)
      } else {
      }
      %lt3A_250 = arith.constant 250 : i32
      %lt3A_251 = arith.cmpi slt, %sub3A_241, %lt3A_250 : i32
      %convert_element_type3A_252 = arith.extui %lt3A_251 : i1 to i32
      %cond3A_253 = arith.constant 0 : i32
      %cond3A_254 = arith.cmpi ne, %convert_element_type3A_252, %cond3A_253 : i32
      scf.if %cond3A_254 {
        %dma_start3A_396 = arith.constant 0 : i32
        %dma_start3A_397 = arith.constant 0 : i32
        %dma_start3A_398 = arith.constant 0 : i32
        %dma_start3A_399 = tpu.memref_slice %arg9[%dma_start3A_396, %dma_start3A_397, %dma_start3A_398] : memref<5x80x64xf32, #tpu.memory_space<vmem>> -> memref<1x80x64xf32, #tpu.memory_space<vmem>>
        %dma_start3A_400 = tpu.memref_squeeze %dma_start3A_399 : memref<1x80x64xf32, #tpu.memory_space<vmem>> -> memref<80x64xf32, #tpu.memory_space<vmem>>
        %dma_start3A_401 = arith.constant 0 : i32
        %dma_start3A_402 = tpu.memref_slice %arg7[%sub3A_241, %dma_start3A_401] : memref<250x80xi32, #tpu.memory_space<vmem>> -> memref<1x80xi32, #tpu.memory_space<vmem>>
        %dma_start3A_403 = tpu.memref_squeeze %dma_start3A_402 : memref<1x80xi32, #tpu.memory_space<vmem>> -> memref<80xi32, #tpu.memory_space<vmem>>
        %dma_start3A_404 = arith.constant 0 : i32
        %dma_start3A_405 = arith.constant 0 : i32
        %dma_start3A_406 = tpu.memref_slice %arg2[%dma_start3A_404, %dma_start3A_405] : memref<20000x64xf32, #tpu.memory_space<hbm>> -> memref<20000x64xf32, #tpu.memory_space<hbm>>
        tpu.enqueue_indirect_dma source(%dma_start3A_406 : memref<20000x64xf32, #tpu.memory_space<hbm>>) target(%dma_start3A_400 : memref<80x64xf32, #tpu.memory_space<vmem>>) offsets(%dma_start3A_403 : memref<80xi32, #tpu.memory_space<vmem>>) semaphore(%arg11 : memref<!tpu.dma_semaphore, #tpu.memory_space<semaphore_mem>>)
      } else {
      }
      %mul3A_255 = arith.constant 5 : i32
      %mul3A_256 = arith.muli %mul3A_255, %scan3A_166 : i32
      %add3A_257 = arith.constant 2 : i32
      %add3A_258 = arith.addi %mul3A_256, %add3A_257 : i32
      %dma_wait3A_259 = arith.constant 2 : i32
      %dma_wait3A_260 = arith.constant 0 : i32
      %dma_wait3A_261 = arith.constant 0 : i32
      %dma_wait3A_262 = tpu.memref_slice %arg9[%dma_wait3A_259, %dma_wait3A_260, %dma_wait3A_261] : memref<5x80x64xf32, #tpu.memory_space<vmem>> -> memref<1x80x64xf32, #tpu.memory_space<vmem>>
      %dma_wait3A_263 = tpu.memref_squeeze %dma_wait3A_262 : memref<1x80x64xf32, #tpu.memory_space<vmem>> -> memref<80x64xf32, #tpu.memory_space<vmem>>
      %dma_wait3A_264 = arith.constant 0 : i32
      %dma_wait3A_265 = arith.constant 0 : i32
      %dma_wait3A_266 = tpu.memref_slice %arg2[%dma_wait3A_264, %dma_wait3A_265] : memref<20000x64xf32, #tpu.memory_space<hbm>> -> memref<80x64xf32, #tpu.memory_space<hbm>>
      %dma_wait3A_267 = arith.constant 0 : i32
      %dma_wait3A_268 = arith.constant 0 : i32
      %dma_wait3A_269 = tpu.memref_slice %arg9[%dma_wait3A_259, %dma_wait3A_267, %dma_wait3A_268] : memref<5x80x64xf32, #tpu.memory_space<vmem>> -> memref<1x80x64xf32, #tpu.memory_space<vmem>>
      %dma_wait3A_270 = tpu.memref_squeeze %dma_wait3A_269 : memref<1x80x64xf32, #tpu.memory_space<vmem>> -> memref<80x64xf32, #tpu.memory_space<vmem>>
      %dma_wait3A_271 = arith.constant 0 : i32
      %dma_wait3A_272 = arith.constant 0 : i32
      %dma_wait3A_273 = tpu.memref_slice %arg2[%dma_wait3A_271, %dma_wait3A_272] : memref<20000x64xf32, #tpu.memory_space<hbm>> -> memref<80x64xf32, #tpu.memory_space<hbm>>
      tpu.wait_dma2 semaphore(%arg11 : memref<!tpu.dma_semaphore, #tpu.memory_space<semaphore_mem>>) src(%dma_wait3A_273 : memref<80x64xf32, #tpu.memory_space<hbm>>) dst(%dma_wait3A_270 : memref<80x64xf32, #tpu.memory_space<vmem>>)
      %dma_start3A_274 = arith.constant 2 : i32
      %dma_start3A_275 = arith.constant 0 : i32
      %dma_start3A_276 = arith.constant 0 : i32
      %dma_start3A_277 = tpu.memref_slice %arg9[%dma_start3A_274, %dma_start3A_275, %dma_start3A_276] : memref<5x80x64xf32, #tpu.memory_space<vmem>> -> memref<1x80x64xf32, #tpu.memory_space<vmem>>
      %dma_start3A_278 = tpu.memref_squeeze %dma_start3A_277 : memref<1x80x64xf32, #tpu.memory_space<vmem>> -> memref<80x64xf32, #tpu.memory_space<vmem>>
      %dma_start3A_279 = arith.constant 0 : i32
      %dma_start3A_280 = tpu.memref_slice %arg8[%add3A_258, %dma_start3A_279] : memref<250x80xi32, #tpu.memory_space<vmem>> -> memref<1x80xi32, #tpu.memory_space<vmem>>
      %dma_start3A_281 = tpu.memref_squeeze %dma_start3A_280 : memref<1x80xi32, #tpu.memory_space<vmem>> -> memref<80xi32, #tpu.memory_space<vmem>>
      %dma_start3A_282 = arith.constant 0 : i32
      %dma_start3A_283 = arith.constant 0 : i32
      %dma_start3A_284 = tpu.memref_slice %arg10[%dma_start3A_282, %dma_start3A_283] : memref<10240x64xf32, #tpu.memory_space<vmem_shared>> -> memref<10240x64xf32, #tpu.memory_space<vmem_shared>>
      tpu.enqueue_indirect_dma source(%dma_start3A_278 : memref<80x64xf32, #tpu.memory_space<vmem>>) target(%dma_start3A_284 : memref<10240x64xf32, #tpu.memory_space<vmem_shared>>) offsets(%dma_start3A_281 : memref<80xi32, #tpu.memory_space<vmem>>) semaphore(%arg12 : memref<!tpu.dma_semaphore, #tpu.memory_space<semaphore_mem>>) {add = true}
      %add3A_285 = arith.constant 5 : i32
      %add3A_286 = arith.addi %add3A_258, %add3A_285 : i32
      %sub3A_287 = arith.constant 1 : i32
      %sub3A_288 = arith.subi %add3A_286, %sub3A_287 : i32
      %ge3A_289 = arith.constant 1 : i32
      %ge3A_290 = arith.cmpi sge, %add3A_258, %ge3A_289 : i32
      %lt3A_291 = arith.constant 250 : i32
      %lt3A_292 = arith.cmpi slt, %sub3A_288, %lt3A_291 : i32
      %and3A_293 = arith.andi %ge3A_290, %lt3A_292 : i1
      %convert_element_type3A_294 = arith.extui %and3A_293 : i1 to i32
      %cond3A_295 = arith.constant 0 : i32
      %cond3A_296 = arith.cmpi ne, %convert_element_type3A_294, %cond3A_295 : i32
      scf.if %cond3A_296 {
        %dma_wait3A_396 = arith.constant 1 : i32
        %dma_wait3A_397 = arith.constant 0 : i32
        %dma_wait3A_398 = arith.constant 0 : i32
        %dma_wait3A_399 = tpu.memref_slice %arg9[%dma_wait3A_396, %dma_wait3A_397, %dma_wait3A_398] : memref<5x80x64xf32, #tpu.memory_space<vmem>> -> memref<1x80x64xf32, #tpu.memory_space<vmem>>
        %dma_wait3A_400 = tpu.memref_squeeze %dma_wait3A_399 : memref<1x80x64xf32, #tpu.memory_space<vmem>> -> memref<80x64xf32, #tpu.memory_space<vmem>>
        %dma_wait3A_401 = arith.constant 0 : i32
        %dma_wait3A_402 = arith.constant 0 : i32
        %dma_wait3A_403 = tpu.memref_slice %arg2[%dma_wait3A_401, %dma_wait3A_402] : memref<20000x64xf32, #tpu.memory_space<hbm>> -> memref<80x64xf32, #tpu.memory_space<hbm>>
        %dma_wait3A_404 = arith.constant 0 : i32
        %dma_wait3A_405 = arith.constant 0 : i32
        %dma_wait3A_406 = tpu.memref_slice %arg9[%dma_wait3A_396, %dma_wait3A_404, %dma_wait3A_405] : memref<5x80x64xf32, #tpu.memory_space<vmem>> -> memref<1x80x64xf32, #tpu.memory_space<vmem>>
        %dma_wait3A_407 = tpu.memref_squeeze %dma_wait3A_406 : memref<1x80x64xf32, #tpu.memory_space<vmem>> -> memref<80x64xf32, #tpu.memory_space<vmem>>
        %dma_wait3A_408 = arith.constant 0 : i32
        %dma_wait3A_409 = arith.constant 0 : i32
        %dma_wait3A_410 = tpu.memref_slice %arg2[%dma_wait3A_408, %dma_wait3A_409] : memref<20000x64xf32, #tpu.memory_space<hbm>> -> memref<80x64xf32, #tpu.memory_space<hbm>>
        tpu.wait_dma2 semaphore(%arg12 : memref<!tpu.dma_semaphore, #tpu.memory_space<semaphore_mem>>) src(%dma_wait3A_410 : memref<80x64xf32, #tpu.memory_space<hbm>>) dst(%dma_wait3A_407 : memref<80x64xf32, #tpu.memory_space<vmem>>)
      } else {
      }
      %lt3A_297 = arith.constant 250 : i32
      %lt3A_298 = arith.cmpi slt, %sub3A_288, %lt3A_297 : i32
      %convert_element_type3A_299 = arith.extui %lt3A_298 : i1 to i32
      %cond3A_300 = arith.constant 0 : i32
      %cond3A_301 = arith.cmpi ne, %convert_element_type3A_299, %cond3A_300 : i32
      scf.if %cond3A_301 {
        %dma_start3A_396 = arith.constant 1 : i32
        %dma_start3A_397 = arith.constant 0 : i32
        %dma_start3A_398 = arith.constant 0 : i32
        %dma_start3A_399 = tpu.memref_slice %arg9[%dma_start3A_396, %dma_start3A_397, %dma_start3A_398] : memref<5x80x64xf32, #tpu.memory_space<vmem>> -> memref<1x80x64xf32, #tpu.memory_space<vmem>>
        %dma_start3A_400 = tpu.memref_squeeze %dma_start3A_399 : memref<1x80x64xf32, #tpu.memory_space<vmem>> -> memref<80x64xf32, #tpu.memory_space<vmem>>
        %dma_start3A_401 = arith.constant 0 : i32
        %dma_start3A_402 = tpu.memref_slice %arg7[%sub3A_288, %dma_start3A_401] : memref<250x80xi32, #tpu.memory_space<vmem>> -> memref<1x80xi32, #tpu.memory_space<vmem>>
        %dma_start3A_403 = tpu.memref_squeeze %dma_start3A_402 : memref<1x80xi32, #tpu.memory_space<vmem>> -> memref<80xi32, #tpu.memory_space<vmem>>
        %dma_start3A_404 = arith.constant 0 : i32
        %dma_start3A_405 = arith.constant 0 : i32
        %dma_start3A_406 = tpu.memref_slice %arg2[%dma_start3A_404, %dma_start3A_405] : memref<20000x64xf32, #tpu.memory_space<hbm>> -> memref<20000x64xf32, #tpu.memory_space<hbm>>
        tpu.enqueue_indirect_dma source(%dma_start3A_406 : memref<20000x64xf32, #tpu.memory_space<hbm>>) target(%dma_start3A_400 : memref<80x64xf32, #tpu.memory_space<vmem>>) offsets(%dma_start3A_403 : memref<80xi32, #tpu.memory_space<vmem>>) semaphore(%arg11 : memref<!tpu.dma_semaphore, #tpu.memory_space<semaphore_mem>>)
      } else {
      }
      %mul3A_302 = arith.constant 5 : i32
      %mul3A_303 = arith.muli %mul3A_302, %scan3A_166 : i32
      %add3A_304 = arith.constant 3 : i32
      %add3A_305 = arith.addi %mul3A_303, %add3A_304 : i32
      %dma_wait3A_306 = arith.constant 3 : i32
      %dma_wait3A_307 = arith.constant 0 : i32
      %dma_wait3A_308 = arith.constant 0 : i32
      %dma_wait3A_309 = tpu.memref_slice %arg9[%dma_wait3A_306, %dma_wait3A_307, %dma_wait3A_308] : memref<5x80x64xf32, #tpu.memory_space<vmem>> -> memref<1x80x64xf32, #tpu.memory_space<vmem>>
      %dma_wait3A_310 = tpu.memref_squeeze %dma_wait3A_309 : memref<1x80x64xf32, #tpu.memory_space<vmem>> -> memref<80x64xf32, #tpu.memory_space<vmem>>
      %dma_wait3A_311 = arith.constant 0 : i32
      %dma_wait3A_312 = arith.constant 0 : i32
      %dma_wait3A_313 = tpu.memref_slice %arg2[%dma_wait3A_311, %dma_wait3A_312] : memref<20000x64xf32, #tpu.memory_space<hbm>> -> memref<80x64xf32, #tpu.memory_space<hbm>>
      %dma_wait3A_314 = arith.constant 0 : i32
      %dma_wait3A_315 = arith.constant 0 : i32
      %dma_wait3A_316 = tpu.memref_slice %arg9[%dma_wait3A_306, %dma_wait3A_314, %dma_wait3A_315] : memref<5x80x64xf32, #tpu.memory_space<vmem>> -> memref<1x80x64xf32, #tpu.memory_space<vmem>>
      %dma_wait3A_317 = tpu.memref_squeeze %dma_wait3A_316 : memref<1x80x64xf32, #tpu.memory_space<vmem>> -> memref<80x64xf32, #tpu.memory_space<vmem>>
      %dma_wait3A_318 = arith.constant 0 : i32
      %dma_wait3A_319 = arith.constant 0 : i32
      %dma_wait3A_320 = tpu.memref_slice %arg2[%dma_wait3A_318, %dma_wait3A_319] : memref<20000x64xf32, #tpu.memory_space<hbm>> -> memref<80x64xf32, #tpu.memory_space<hbm>>
      tpu.wait_dma2 semaphore(%arg11 : memref<!tpu.dma_semaphore, #tpu.memory_space<semaphore_mem>>) src(%dma_wait3A_320 : memref<80x64xf32, #tpu.memory_space<hbm>>) dst(%dma_wait3A_317 : memref<80x64xf32, #tpu.memory_space<vmem>>)
      %dma_start3A_321 = arith.constant 3 : i32
      %dma_start3A_322 = arith.constant 0 : i32
      %dma_start3A_323 = arith.constant 0 : i32
      %dma_start3A_324 = tpu.memref_slice %arg9[%dma_start3A_321, %dma_start3A_322, %dma_start3A_323] : memref<5x80x64xf32, #tpu.memory_space<vmem>> -> memref<1x80x64xf32, #tpu.memory_space<vmem>>
      %dma_start3A_325 = tpu.memref_squeeze %dma_start3A_324 : memref<1x80x64xf32, #tpu.memory_space<vmem>> -> memref<80x64xf32, #tpu.memory_space<vmem>>
      %dma_start3A_326 = arith.constant 0 : i32
      %dma_start3A_327 = tpu.memref_slice %arg8[%add3A_305, %dma_start3A_326] : memref<250x80xi32, #tpu.memory_space<vmem>> -> memref<1x80xi32, #tpu.memory_space<vmem>>
      %dma_start3A_328 = tpu.memref_squeeze %dma_start3A_327 : memref<1x80xi32, #tpu.memory_space<vmem>> -> memref<80xi32, #tpu.memory_space<vmem>>
      %dma_start3A_329 = arith.constant 0 : i32
      %dma_start3A_330 = arith.constant 0 : i32
      %dma_start3A_331 = tpu.memref_slice %arg10[%dma_start3A_329, %dma_start3A_330] : memref<10240x64xf32, #tpu.memory_space<vmem_shared>> -> memref<10240x64xf32, #tpu.memory_space<vmem_shared>>
      tpu.enqueue_indirect_dma source(%dma_start3A_325 : memref<80x64xf32, #tpu.memory_space<vmem>>) target(%dma_start3A_331 : memref<10240x64xf32, #tpu.memory_space<vmem_shared>>) offsets(%dma_start3A_328 : memref<80xi32, #tpu.memory_space<vmem>>) semaphore(%arg12 : memref<!tpu.dma_semaphore, #tpu.memory_space<semaphore_mem>>) {add = true}
      %add3A_332 = arith.constant 5 : i32
      %add3A_333 = arith.addi %add3A_305, %add3A_332 : i32
      %sub3A_334 = arith.constant 1 : i32
      %sub3A_335 = arith.subi %add3A_333, %sub3A_334 : i32
      %ge3A_336 = arith.constant 1 : i32
      %ge3A_337 = arith.cmpi sge, %add3A_305, %ge3A_336 : i32
      %lt3A_338 = arith.constant 250 : i32
      %lt3A_339 = arith.cmpi slt, %sub3A_335, %lt3A_338 : i32
      %and3A_340 = arith.andi %ge3A_337, %lt3A_339 : i1
      %convert_element_type3A_341 = arith.extui %and3A_340 : i1 to i32
      %cond3A_342 = arith.constant 0 : i32
      %cond3A_343 = arith.cmpi ne, %convert_element_type3A_341, %cond3A_342 : i32
      scf.if %cond3A_343 {
        %dma_wait3A_396 = arith.constant 2 : i32
        %dma_wait3A_397 = arith.constant 0 : i32
        %dma_wait3A_398 = arith.constant 0 : i32
        %dma_wait3A_399 = tpu.memref_slice %arg9[%dma_wait3A_396, %dma_wait3A_397, %dma_wait3A_398] : memref<5x80x64xf32, #tpu.memory_space<vmem>> -> memref<1x80x64xf32, #tpu.memory_space<vmem>>
        %dma_wait3A_400 = tpu.memref_squeeze %dma_wait3A_399 : memref<1x80x64xf32, #tpu.memory_space<vmem>> -> memref<80x64xf32, #tpu.memory_space<vmem>>
        %dma_wait3A_401 = arith.constant 0 : i32
        %dma_wait3A_402 = arith.constant 0 : i32
        %dma_wait3A_403 = tpu.memref_slice %arg2[%dma_wait3A_401, %dma_wait3A_402] : memref<20000x64xf32, #tpu.memory_space<hbm>> -> memref<80x64xf32, #tpu.memory_space<hbm>>
        %dma_wait3A_404 = arith.constant 0 : i32
        %dma_wait3A_405 = arith.constant 0 : i32
        %dma_wait3A_406 = tpu.memref_slice %arg9[%dma_wait3A_396, %dma_wait3A_404, %dma_wait3A_405] : memref<5x80x64xf32, #tpu.memory_space<vmem>> -> memref<1x80x64xf32, #tpu.memory_space<vmem>>
        %dma_wait3A_407 = tpu.memref_squeeze %dma_wait3A_406 : memref<1x80x64xf32, #tpu.memory_space<vmem>> -> memref<80x64xf32, #tpu.memory_space<vmem>>
        %dma_wait3A_408 = arith.constant 0 : i32
        %dma_wait3A_409 = arith.constant 0 : i32
        %dma_wait3A_410 = tpu.memref_slice %arg2[%dma_wait3A_408, %dma_wait3A_409] : memref<20000x64xf32, #tpu.memory_space<hbm>> -> memref<80x64xf32, #tpu.memory_space<hbm>>
        tpu.wait_dma2 semaphore(%arg12 : memref<!tpu.dma_semaphore, #tpu.memory_space<semaphore_mem>>) src(%dma_wait3A_410 : memref<80x64xf32, #tpu.memory_space<hbm>>) dst(%dma_wait3A_407 : memref<80x64xf32, #tpu.memory_space<vmem>>)
      } else {
      }
      %lt3A_344 = arith.constant 250 : i32
      %lt3A_345 = arith.cmpi slt, %sub3A_335, %lt3A_344 : i32
      %convert_element_type3A_346 = arith.extui %lt3A_345 : i1 to i32
      %cond3A_347 = arith.constant 0 : i32
      %cond3A_348 = arith.cmpi ne, %convert_element_type3A_346, %cond3A_347 : i32
      scf.if %cond3A_348 {
        %dma_start3A_396 = arith.constant 2 : i32
        %dma_start3A_397 = arith.constant 0 : i32
        %dma_start3A_398 = arith.constant 0 : i32
        %dma_start3A_399 = tpu.memref_slice %arg9[%dma_start3A_396, %dma_start3A_397, %dma_start3A_398] : memref<5x80x64xf32, #tpu.memory_space<vmem>> -> memref<1x80x64xf32, #tpu.memory_space<vmem>>
        %dma_start3A_400 = tpu.memref_squeeze %dma_start3A_399 : memref<1x80x64xf32, #tpu.memory_space<vmem>> -> memref<80x64xf32, #tpu.memory_space<vmem>>
        %dma_start3A_401 = arith.constant 0 : i32
        %dma_start3A_402 = tpu.memref_slice %arg7[%sub3A_335, %dma_start3A_401] : memref<250x80xi32, #tpu.memory_space<vmem>> -> memref<1x80xi32, #tpu.memory_space<vmem>>
        %dma_start3A_403 = tpu.memref_squeeze %dma_start3A_402 : memref<1x80xi32, #tpu.memory_space<vmem>> -> memref<80xi32, #tpu.memory_space<vmem>>
        %dma_start3A_404 = arith.constant 0 : i32
        %dma_start3A_405 = arith.constant 0 : i32
        %dma_start3A_406 = tpu.memref_slice %arg2[%dma_start3A_404, %dma_start3A_405] : memref<20000x64xf32, #tpu.memory_space<hbm>> -> memref<20000x64xf32, #tpu.memory_space<hbm>>
        tpu.enqueue_indirect_dma source(%dma_start3A_406 : memref<20000x64xf32, #tpu.memory_space<hbm>>) target(%dma_start3A_400 : memref<80x64xf32, #tpu.memory_space<vmem>>) offsets(%dma_start3A_403 : memref<80xi32, #tpu.memory_space<vmem>>) semaphore(%arg11 : memref<!tpu.dma_semaphore, #tpu.memory_space<semaphore_mem>>)
      } else {
      }
      %mul3A_349 = arith.constant 5 : i32
      %mul3A_350 = arith.muli %mul3A_349, %scan3A_166 : i32
      %add3A_351 = arith.constant 4 : i32
      %add3A_352 = arith.addi %mul3A_350, %add3A_351 : i32
      %dma_wait3A_353 = arith.constant 4 : i32
      %dma_wait3A_354 = arith.constant 0 : i32
      %dma_wait3A_355 = arith.constant 0 : i32
      %dma_wait3A_356 = tpu.memref_slice %arg9[%dma_wait3A_353, %dma_wait3A_354, %dma_wait3A_355] : memref<5x80x64xf32, #tpu.memory_space<vmem>> -> memref<1x80x64xf32, #tpu.memory_space<vmem>>
      %dma_wait3A_357 = tpu.memref_squeeze %dma_wait3A_356 : memref<1x80x64xf32, #tpu.memory_space<vmem>> -> memref<80x64xf32, #tpu.memory_space<vmem>>
      %dma_wait3A_358 = arith.constant 0 : i32
      %dma_wait3A_359 = arith.constant 0 : i32
      %dma_wait3A_360 = tpu.memref_slice %arg2[%dma_wait3A_358, %dma_wait3A_359] : memref<20000x64xf32, #tpu.memory_space<hbm>> -> memref<80x64xf32, #tpu.memory_space<hbm>>
      %dma_wait3A_361 = arith.constant 0 : i32
      %dma_wait3A_362 = arith.constant 0 : i32
      %dma_wait3A_363 = tpu.memref_slice %arg9[%dma_wait3A_353, %dma_wait3A_361, %dma_wait3A_362] : memref<5x80x64xf32, #tpu.memory_space<vmem>> -> memref<1x80x64xf32, #tpu.memory_space<vmem>>
      %dma_wait3A_364 = tpu.memref_squeeze %dma_wait3A_363 : memref<1x80x64xf32, #tpu.memory_space<vmem>> -> memref<80x64xf32, #tpu.memory_space<vmem>>
      %dma_wait3A_365 = arith.constant 0 : i32
      %dma_wait3A_366 = arith.constant 0 : i32
      %dma_wait3A_367 = tpu.memref_slice %arg2[%dma_wait3A_365, %dma_wait3A_366] : memref<20000x64xf32, #tpu.memory_space<hbm>> -> memref<80x64xf32, #tpu.memory_space<hbm>>
      tpu.wait_dma2 semaphore(%arg11 : memref<!tpu.dma_semaphore, #tpu.memory_space<semaphore_mem>>) src(%dma_wait3A_367 : memref<80x64xf32, #tpu.memory_space<hbm>>) dst(%dma_wait3A_364 : memref<80x64xf32, #tpu.memory_space<vmem>>)
      %dma_start3A_368 = arith.constant 4 : i32
      %dma_start3A_369 = arith.constant 0 : i32
      %dma_start3A_370 = arith.constant 0 : i32
      %dma_start3A_371 = tpu.memref_slice %arg9[%dma_start3A_368, %dma_start3A_369, %dma_start3A_370] : memref<5x80x64xf32, #tpu.memory_space<vmem>> -> memref<1x80x64xf32, #tpu.memory_space<vmem>>
      %dma_start3A_372 = tpu.memref_squeeze %dma_start3A_371 : memref<1x80x64xf32, #tpu.memory_space<vmem>> -> memref<80x64xf32, #tpu.memory_space<vmem>>
      %dma_start3A_373 = arith.constant 0 : i32
      %dma_start3A_374 = tpu.memref_slice %arg8[%add3A_352, %dma_start3A_373] : memref<250x80xi32, #tpu.memory_space<vmem>> -> memref<1x80xi32, #tpu.memory_space<vmem>>
      %dma_start3A_375 = tpu.memref_squeeze %dma_start3A_374 : memref<1x80xi32, #tpu.memory_space<vmem>> -> memref<80xi32, #tpu.memory_space<vmem>>
      %dma_start3A_376 = arith.constant 0 : i32
      %dma_start3A_377 = arith.constant 0 : i32
      %dma_start3A_378 = tpu.memref_slice %arg10[%dma_start3A_376, %dma_start3A_377] : memref<10240x64xf32, #tpu.memory_space<vmem_shared>> -> memref<10240x64xf32, #tpu.memory_space<vmem_shared>>
      tpu.enqueue_indirect_dma source(%dma_start3A_372 : memref<80x64xf32, #tpu.memory_space<vmem>>) target(%dma_start3A_378 : memref<10240x64xf32, #tpu.memory_space<vmem_shared>>) offsets(%dma_start3A_375 : memref<80xi32, #tpu.memory_space<vmem>>) semaphore(%arg12 : memref<!tpu.dma_semaphore, #tpu.memory_space<semaphore_mem>>) {add = true}
      %add3A_379 = arith.constant 5 : i32
      %add3A_380 = arith.addi %add3A_352, %add3A_379 : i32
      %sub3A_381 = arith.constant 1 : i32
      %sub3A_382 = arith.subi %add3A_380, %sub3A_381 : i32
      %ge3A_383 = arith.constant 1 : i32
      %ge3A_384 = arith.cmpi sge, %add3A_352, %ge3A_383 : i32
      %lt3A_385 = arith.constant 250 : i32
      %lt3A_386 = arith.cmpi slt, %sub3A_382, %lt3A_385 : i32
      %and3A_387 = arith.andi %ge3A_384, %lt3A_386 : i1
      %convert_element_type3A_388 = arith.extui %and3A_387 : i1 to i32
      %cond3A_389 = arith.constant 0 : i32
      %cond3A_390 = arith.cmpi ne, %convert_element_type3A_388, %cond3A_389 : i32
      scf.if %cond3A_390 {
        %dma_wait3A_396 = arith.constant 3 : i32
        %dma_wait3A_397 = arith.constant 0 : i32
        %dma_wait3A_398 = arith.constant 0 : i32
        %dma_wait3A_399 = tpu.memref_slice %arg9[%dma_wait3A_396, %dma_wait3A_397, %dma_wait3A_398] : memref<5x80x64xf32, #tpu.memory_space<vmem>> -> memref<1x80x64xf32, #tpu.memory_space<vmem>>
        %dma_wait3A_400 = tpu.memref_squeeze %dma_wait3A_399 : memref<1x80x64xf32, #tpu.memory_space<vmem>> -> memref<80x64xf32, #tpu.memory_space<vmem>>
        %dma_wait3A_401 = arith.constant 0 : i32
        %dma_wait3A_402 = arith.constant 0 : i32
        %dma_wait3A_403 = tpu.memref_slice %arg2[%dma_wait3A_401, %dma_wait3A_402] : memref<20000x64xf32, #tpu.memory_space<hbm>> -> memref<80x64xf32, #tpu.memory_space<hbm>>
        %dma_wait3A_404 = arith.constant 0 : i32
        %dma_wait3A_405 = arith.constant 0 : i32
        %dma_wait3A_406 = tpu.memref_slice %arg9[%dma_wait3A_396, %dma_wait3A_404, %dma_wait3A_405] : memref<5x80x64xf32, #tpu.memory_space<vmem>> -> memref<1x80x64xf32, #tpu.memory_space<vmem>>
        %dma_wait3A_407 = tpu.memref_squeeze %dma_wait3A_406 : memref<1x80x64xf32, #tpu.memory_space<vmem>> -> memref<80x64xf32, #tpu.memory_space<vmem>>
        %dma_wait3A_408 = arith.constant 0 : i32
        %dma_wait3A_409 = arith.constant 0 : i32
        %dma_wait3A_410 = tpu.memref_slice %arg2[%dma_wait3A_408, %dma_wait3A_409] : memref<20000x64xf32, #tpu.memory_space<hbm>> -> memref<80x64xf32, #tpu.memory_space<hbm>>
        tpu.wait_dma2 semaphore(%arg12 : memref<!tpu.dma_semaphore, #tpu.memory_space<semaphore_mem>>) src(%dma_wait3A_410 : memref<80x64xf32, #tpu.memory_space<hbm>>) dst(%dma_wait3A_407 : memref<80x64xf32, #tpu.memory_space<vmem>>)
      } else {
      }
      %lt3A_391 = arith.constant 250 : i32
      %lt3A_392 = arith.cmpi slt, %sub3A_382, %lt3A_391 : i32
      %convert_element_type3A_393 = arith.extui %lt3A_392 : i1 to i32
      %cond3A_394 = arith.constant 0 : i32
      %cond3A_395 = arith.cmpi ne, %convert_element_type3A_393, %cond3A_394 : i32
      scf.if %cond3A_395 {
        %dma_start3A_396 = arith.constant 3 : i32
        %dma_start3A_397 = arith.constant 0 : i32
        %dma_start3A_398 = arith.constant 0 : i32
        %dma_start3A_399 = tpu.memref_slice %arg9[%dma_start3A_396, %dma_start3A_397, %dma_start3A_398] : memref<5x80x64xf32, #tpu.memory_space<vmem>> -> memref<1x80x64xf32, #tpu.memory_space<vmem>>
        %dma_start3A_400 = tpu.memref_squeeze %dma_start3A_399 : memref<1x80x64xf32, #tpu.memory_space<vmem>> -> memref<80x64xf32, #tpu.memory_space<vmem>>
        %dma_start3A_401 = arith.constant 0 : i32
        %dma_start3A_402 = tpu.memref_slice %arg7[%sub3A_382, %dma_start3A_401] : memref<250x80xi32, #tpu.memory_space<vmem>> -> memref<1x80xi32, #tpu.memory_space<vmem>>
        %dma_start3A_403 = tpu.memref_squeeze %dma_start3A_402 : memref<1x80xi32, #tpu.memory_space<vmem>> -> memref<80xi32, #tpu.memory_space<vmem>>
        %dma_start3A_404 = arith.constant 0 : i32
        %dma_start3A_405 = arith.constant 0 : i32
        %dma_start3A_406 = tpu.memref_slice %arg2[%dma_start3A_404, %dma_start3A_405] : memref<20000x64xf32, #tpu.memory_space<hbm>> -> memref<20000x64xf32, #tpu.memory_space<hbm>>
        tpu.enqueue_indirect_dma source(%dma_start3A_406 : memref<20000x64xf32, #tpu.memory_space<hbm>>) target(%dma_start3A_400 : memref<80x64xf32, #tpu.memory_space<vmem>>) offsets(%dma_start3A_403 : memref<80xi32, #tpu.memory_space<vmem>>) semaphore(%arg11 : memref<!tpu.dma_semaphore, #tpu.memory_space<semaphore_mem>>)
      } else {
      }
    }
    %scan3A_85 = arith.constant 50 : i32
    %dma_wait3A_86 = arith.constant 0 : i32
    %dma_wait3A_87 = arith.constant 0 : i32
    %dma_wait3A_88 = arith.constant 0 : i32
    %dma_wait3A_89 = tpu.memref_slice %arg9[%dma_wait3A_86, %dma_wait3A_87, %dma_wait3A_88] : memref<5x80x64xf32, #tpu.memory_space<vmem>> -> memref<1x80x64xf32, #tpu.memory_space<vmem>>
    %dma_wait3A_90 = tpu.memref_squeeze %dma_wait3A_89 : memref<1x80x64xf32, #tpu.memory_space<vmem>> -> memref<80x64xf32, #tpu.memory_space<vmem>>
    %dma_wait3A_91 = arith.constant 0 : i32
    %dma_wait3A_92 = arith.constant 0 : i32
    %dma_wait3A_93 = tpu.memref_slice %arg2[%dma_wait3A_91, %dma_wait3A_92] : memref<20000x64xf32, #tpu.memory_space<hbm>> -> memref<80x64xf32, #tpu.memory_space<hbm>>
    %dma_wait3A_94 = arith.constant 0 : i32
    %dma_wait3A_95 = arith.constant 0 : i32
    %dma_wait3A_96 = tpu.memref_slice %arg9[%dma_wait3A_86, %dma_wait3A_94, %dma_wait3A_95] : memref<5x80x64xf32, #tpu.memory_space<vmem>> -> memref<1x80x64xf32, #tpu.memory_space<vmem>>
    %dma_wait3A_97 = tpu.memref_squeeze %dma_wait3A_96 : memref<1x80x64xf32, #tpu.memory_space<vmem>> -> memref<80x64xf32, #tpu.memory_space<vmem>>
    %dma_wait3A_98 = arith.constant 0 : i32
    %dma_wait3A_99 = arith.constant 0 : i32
    %dma_wait3A_100 = tpu.memref_slice %arg2[%dma_wait3A_98, %dma_wait3A_99] : memref<20000x64xf32, #tpu.memory_space<hbm>> -> memref<80x64xf32, #tpu.memory_space<hbm>>
    tpu.wait_dma2 semaphore(%arg12 : memref<!tpu.dma_semaphore, #tpu.memory_space<semaphore_mem>>) src(%dma_wait3A_100 : memref<80x64xf32, #tpu.memory_space<hbm>>) dst(%dma_wait3A_97 : memref<80x64xf32, #tpu.memory_space<vmem>>)
    %dma_wait3A_101 = arith.constant 0 : i32
    %dma_wait3A_102 = arith.constant 0 : i32
    %dma_wait3A_103 = arith.constant 0 : i32
    %dma_wait3A_104 = tpu.memref_slice %arg9[%dma_wait3A_101, %dma_wait3A_102, %dma_wait3A_103] : memref<5x80x64xf32, #tpu.memory_space<vmem>> -> memref<1x80x64xf32, #tpu.memory_space<vmem>>
    %dma_wait3A_105 = tpu.memref_squeeze %dma_wait3A_104 : memref<1x80x64xf32, #tpu.memory_space<vmem>> -> memref<80x64xf32, #tpu.memory_space<vmem>>
    %dma_wait3A_106 = arith.constant 0 : i32
    %dma_wait3A_107 = arith.constant 0 : i32
    %dma_wait3A_108 = tpu.memref_slice %arg2[%dma_wait3A_106, %dma_wait3A_107] : memref<20000x64xf32, #tpu.memory_space<hbm>> -> memref<80x64xf32, #tpu.memory_space<hbm>>
    %dma_wait3A_109 = arith.constant 0 : i32
    %dma_wait3A_110 = arith.constant 0 : i32
    %dma_wait3A_111 = tpu.memref_slice %arg9[%dma_wait3A_101, %dma_wait3A_109, %dma_wait3A_110] : memref<5x80x64xf32, #tpu.memory_space<vmem>> -> memref<1x80x64xf32, #tpu.memory_space<vmem>>
    %dma_wait3A_112 = tpu.memref_squeeze %dma_wait3A_111 : memref<1x80x64xf32, #tpu.memory_space<vmem>> -> memref<80x64xf32, #tpu.memory_space<vmem>>
    %dma_wait3A_113 = arith.constant 0 : i32
    %dma_wait3A_114 = arith.constant 0 : i32
    %dma_wait3A_115 = tpu.memref_slice %arg2[%dma_wait3A_113, %dma_wait3A_114] : memref<20000x64xf32, #tpu.memory_space<hbm>> -> memref<80x64xf32, #tpu.memory_space<hbm>>
    tpu.wait_dma2 semaphore(%arg12 : memref<!tpu.dma_semaphore, #tpu.memory_space<semaphore_mem>>) src(%dma_wait3A_115 : memref<80x64xf32, #tpu.memory_space<hbm>>) dst(%dma_wait3A_112 : memref<80x64xf32, #tpu.memory_space<vmem>>)
    %dma_wait3A_116 = arith.constant 0 : i32
    %dma_wait3A_117 = arith.constant 0 : i32
    %dma_wait3A_118 = arith.constant 0 : i32
    %dma_wait3A_119 = tpu.memref_slice %arg9[%dma_wait3A_116, %dma_wait3A_117, %dma_wait3A_118] : memref<5x80x64xf32, #tpu.memory_space<vmem>> -> memref<1x80x64xf32, #tpu.memory_space<vmem>>
    %dma_wait3A_120 = tpu.memref_squeeze %dma_wait3A_119 : memref<1x80x64xf32, #tpu.memory_space<vmem>> -> memref<80x64xf32, #tpu.memory_space<vmem>>
    %dma_wait3A_121 = arith.constant 0 : i32
    %dma_wait3A_122 = arith.constant 0 : i32
    %dma_wait3A_123 = tpu.memref_slice %arg2[%dma_wait3A_121, %dma_wait3A_122] : memref<20000x64xf32, #tpu.memory_space<hbm>> -> memref<80x64xf32, #tpu.memory_space<hbm>>
    %dma_wait3A_124 = arith.constant 0 : i32
    %dma_wait3A_125 = arith.constant 0 : i32
    %dma_wait3A_126 = tpu.memref_slice %arg9[%dma_wait3A_116, %dma_wait3A_124, %dma_wait3A_125] : memref<5x80x64xf32, #tpu.memory_space<vmem>> -> memref<1x80x64xf32, #tpu.memory_space<vmem>>
    %dma_wait3A_127 = tpu.memref_squeeze %dma_wait3A_126 : memref<1x80x64xf32, #tpu.memory_space<vmem>> -> memref<80x64xf32, #tpu.memory_space<vmem>>
    %dma_wait3A_128 = arith.constant 0 : i32
    %dma_wait3A_129 = arith.constant 0 : i32
    %dma_wait3A_130 = tpu.memref_slice %arg2[%dma_wait3A_128, %dma_wait3A_129] : memref<20000x64xf32, #tpu.memory_space<hbm>> -> memref<80x64xf32, #tpu.memory_space<hbm>>
    tpu.wait_dma2 semaphore(%arg12 : memref<!tpu.dma_semaphore, #tpu.memory_space<semaphore_mem>>) src(%dma_wait3A_130 : memref<80x64xf32, #tpu.memory_space<hbm>>) dst(%dma_wait3A_127 : memref<80x64xf32, #tpu.memory_space<vmem>>)
    %dma_wait3A_131 = arith.constant 0 : i32
    %dma_wait3A_132 = arith.constant 0 : i32
    %dma_wait3A_133 = arith.constant 0 : i32
    %dma_wait3A_134 = tpu.memref_slice %arg9[%dma_wait3A_131, %dma_wait3A_132, %dma_wait3A_133] : memref<5x80x64xf32, #tpu.memory_space<vmem>> -> memref<1x80x64xf32, #tpu.memory_space<vmem>>
    %dma_wait3A_135 = tpu.memref_squeeze %dma_wait3A_134 : memref<1x80x64xf32, #tpu.memory_space<vmem>> -> memref<80x64xf32, #tpu.memory_space<vmem>>
    %dma_wait3A_136 = arith.constant 0 : i32
    %dma_wait3A_137 = arith.constant 0 : i32
    %dma_wait3A_138 = tpu.memref_slice %arg2[%dma_wait3A_136, %dma_wait3A_137] : memref<20000x64xf32, #tpu.memory_space<hbm>> -> memref<80x64xf32, #tpu.memory_space<hbm>>
    %dma_wait3A_139 = arith.constant 0 : i32
    %dma_wait3A_140 = arith.constant 0 : i32
    %dma_wait3A_141 = tpu.memref_slice %arg9[%dma_wait3A_131, %dma_wait3A_139, %dma_wait3A_140] : memref<5x80x64xf32, #tpu.memory_space<vmem>> -> memref<1x80x64xf32, #tpu.memory_space<vmem>>
    %dma_wait3A_142 = tpu.memref_squeeze %dma_wait3A_141 : memref<1x80x64xf32, #tpu.memory_space<vmem>> -> memref<80x64xf32, #tpu.memory_space<vmem>>
    %dma_wait3A_143 = arith.constant 0 : i32
    %dma_wait3A_144 = arith.constant 0 : i32
    %dma_wait3A_145 = tpu.memref_slice %arg2[%dma_wait3A_143, %dma_wait3A_144] : memref<20000x64xf32, #tpu.memory_space<hbm>> -> memref<80x64xf32, #tpu.memory_space<hbm>>
    tpu.wait_dma2 semaphore(%arg12 : memref<!tpu.dma_semaphore, #tpu.memory_space<semaphore_mem>>) src(%dma_wait3A_145 : memref<80x64xf32, #tpu.memory_space<hbm>>) dst(%dma_wait3A_142 : memref<80x64xf32, #tpu.memory_space<vmem>>)
    %dma_wait3A_146 = arith.constant 0 : i32
    %dma_wait3A_147 = arith.constant 0 : i32
    %dma_wait3A_148 = arith.constant 0 : i32
    %dma_wait3A_149 = tpu.memref_slice %arg9[%dma_wait3A_146, %dma_wait3A_147, %dma_wait3A_148] : memref<5x80x64xf32, #tpu.memory_space<vmem>> -> memref<1x80x64xf32, #tpu.memory_space<vmem>>
    %dma_wait3A_150 = tpu.memref_squeeze %dma_wait3A_149 : memref<1x80x64xf32, #tpu.memory_space<vmem>> -> memref<80x64xf32, #tpu.memory_space<vmem>>
    %dma_wait3A_151 = arith.constant 0 : i32
    %dma_wait3A_152 = arith.constant 0 : i32
    %dma_wait3A_153 = tpu.memref_slice %arg2[%dma_wait3A_151, %dma_wait3A_152] : memref<20000x64xf32, #tpu.memory_space<hbm>> -> memref<80x64xf32, #tpu.memory_space<hbm>>
    %dma_wait3A_154 = arith.constant 0 : i32
    %dma_wait3A_155 = arith.constant 0 : i32
    %dma_wait3A_156 = tpu.memref_slice %arg9[%dma_wait3A_146, %dma_wait3A_154, %dma_wait3A_155] : memref<5x80x64xf32, #tpu.memory_space<vmem>> -> memref<1x80x64xf32, #tpu.memory_space<vmem>>
    %dma_wait3A_157 = tpu.memref_squeeze %dma_wait3A_156 : memref<1x80x64xf32, #tpu.memory_space<vmem>> -> memref<80x64xf32, #tpu.memory_space<vmem>>
    %dma_wait3A_158 = arith.constant 0 : i32
    %dma_wait3A_159 = arith.constant 0 : i32
    %dma_wait3A_160 = tpu.memref_slice %arg2[%dma_wait3A_158, %dma_wait3A_159] : memref<20000x64xf32, #tpu.memory_space<hbm>> -> memref<80x64xf32, #tpu.memory_space<hbm>>
    tpu.wait_dma2 semaphore(%arg12 : memref<!tpu.dma_semaphore, #tpu.memory_space<semaphore_mem>>) src(%dma_wait3A_160 : memref<80x64xf32, #tpu.memory_space<hbm>>) dst(%dma_wait3A_157 : memref<80x64xf32, #tpu.memory_space<vmem>>)
    %barrier3A_161 = arith.constant 0 : index
    tpu.barrier barrier_id(%barrier3A_161)
    %mul3A_162 = arith.constant 640 : i32
    %mul3A_163 = arith.muli %arg1, %mul3A_162 : i32
    %mul3A_164 = arith.constant 640 : i32
    %mul3A_165 = arith.muli %arg1, %mul3A_164 : i32
    "tpu.region"() ({
      %run_scoped3A = tpu.sem_alloc : memref<!tpu.dma_semaphore, #tpu.memory_space<semaphore_mem>>
      %dma_start3A_166 = arith.constant 0 : i32
      %dma_start3A_167 = arith.constant 0 : i32
      %dma_start3A_168 = tpu.memref_slice %arg6[%arg0, %dma_start3A_166, %dma_start3A_167] : memref<2x10240x64xf32, #tpu.memory_space<hbm>> -> memref<1x10240x64xf32, #tpu.memory_space<hbm>>
      %dma_start3A_169 = tpu.memref_squeeze %dma_start3A_168 : memref<1x10240x64xf32, #tpu.memory_space<hbm>> -> memref<10240x64xf32, #tpu.memory_space<hbm>>
      %dma_start3A_170 = arith.constant 0 : i32
      %dma_start3A_171 = tpu.memref_slice %dma_start3A_169[%mul3A_165, %dma_start3A_170] : memref<10240x64xf32, #tpu.memory_space<hbm>> -> memref<640x64xf32, #tpu.memory_space<hbm>>
      %dma_start3A_172 = arith.constant 0 : i32
      %dma_start3A_173 = tpu.memref_slice %arg10[%mul3A_163, %dma_start3A_172] : memref<10240x64xf32, #tpu.memory_space<vmem_shared>> -> memref<640x64xf32, #tpu.memory_space<vmem_shared>>
      tpu.enqueue_dma source(%dma_start3A_173 : memref<640x64xf32, #tpu.memory_space<vmem_shared>>) target(%dma_start3A_171 : memref<640x64xf32, #tpu.memory_space<hbm>>) target_semaphore(%run_scoped3A : memref<!tpu.dma_semaphore, #tpu.memory_space<semaphore_mem>>)
      %dma_wait3A_174 = arith.constant 0 : i32
      %dma_wait3A_175 = arith.constant 0 : i32
      %dma_wait3A_176 = tpu.memref_slice %arg6[%arg0, %dma_wait3A_174, %dma_wait3A_175] : memref<2x10240x64xf32, #tpu.memory_space<hbm>> -> memref<1x10240x64xf32, #tpu.memory_space<hbm>>
      %dma_wait3A_177 = tpu.memref_squeeze %dma_wait3A_176 : memref<1x10240x64xf32, #tpu.memory_space<hbm>> -> memref<10240x64xf32, #tpu.memory_space<hbm>>
      %dma_wait3A_178 = arith.constant 0 : i32
      %dma_wait3A_179 = tpu.memref_slice %dma_wait3A_177[%mul3A_165, %dma_wait3A_178] : memref<10240x64xf32, #tpu.memory_space<hbm>> -> memref<640x64xf32, #tpu.memory_space<hbm>>
      %dma_wait3A_180 = arith.constant 0 : i32
      %dma_wait3A_181 = tpu.memref_slice %arg10[%mul3A_163, %dma_wait3A_180] : memref<10240x64xf32, #tpu.memory_space<vmem_shared>> -> memref<640x64xf32, #tpu.memory_space<vmem_shared>>
      tpu.wait_dma2 semaphore(%run_scoped3A : memref<!tpu.dma_semaphore, #tpu.memory_space<semaphore_mem>>) src(%dma_wait3A_181 : memref<640x64xf32, #tpu.memory_space<vmem_shared>>) dst(%dma_wait3A_179 : memref<640x64xf32, #tpu.memory_space<hbm>>)
      tpu.yield
    }) : () -> ()
    return
  }
}

#map = affine_map<(d0, d1) -> (0, 0)>
#map1 = affine_map<(d0, d1) -> (0, 0, 0)>
module attributes {stable_mosaic.version = 14 : i64} {
  func.func @_sc_aggr_body(%arg0: i32, %arg1: i32, %arg2: memref<20000x64xf32, #tpu.memory_space<hbm>>, %arg3: memref<32x250x80xi32, #tpu.memory_space<hbm>>, %arg4: memref<16x250x80xi32, #tpu.memory_space<hbm>>, %arg5: memref<640x64xf32, #tpu.memory_space<hbm>>, %arg6: memref<2x10240x64xf32, #tpu.memory_space<hbm>>, %arg7: memref<250x80xi32, #tpu.memory_space<vmem>>, %arg8: memref<250x80xi32, #tpu.memory_space<vmem>>, %arg9: memref<5x80x64xf32, #tpu.memory_space<vmem>>, %arg10: memref<10240x64xf32, #tpu.memory_space<vmem_shared>>, %arg11: memref<!tpu.dma_semaphore, #tpu.memory_space<semaphore_mem>>, %arg12: memref<!tpu.dma_semaphore, #tpu.memory_space<semaphore_mem>>) attributes {dimension_semantics = [#tpu.dimension_semantics<core_parallel>, #tpu.dimension_semantics<subcore_parallel>], iteration_bounds = array<i64: 2, 16>, scalar_prefetch = 0 : i64, scratch_operands = 6 : i64, tpu.core_type = #tpu.core_type<sc_vector_subcore>, window_params = [{transform_indices = #map}, {transform_indices = #map1}, {transform_indices = #map1}, {transform_indices = #map}, {transform_indices = #map1}]} {
    %mul3A = arith.constant 16 : i32
    %mul3A_0 = arith.muli %arg0, %mul3A : i32
    %add3A = arith.addi %mul3A_0, %arg1 : i32
    %dma_start3A = arith.constant 0 : i32
    %dma_start3A_1 = arith.constant 0 : i32
    %dma_start3A_2 = tpu.memref_slice %arg3[%add3A, %dma_start3A, %dma_start3A_1] : memref<32x250x80xi32, #tpu.memory_space<hbm>> -> memref<1x250x80xi32, #tpu.memory_space<hbm>>
    %dma_start3A_3 = tpu.memref_squeeze %dma_start3A_2 : memref<1x250x80xi32, #tpu.memory_space<hbm>> -> memref<250x80xi32, #tpu.memory_space<hbm>>
    %dma_start3A_4 = arith.constant 0 : i32
    %dma_start3A_5 = arith.constant 0 : i32
    %dma_start3A_6 = tpu.memref_slice %arg3[%add3A, %dma_start3A_4, %dma_start3A_5] : memref<32x250x80xi32, #tpu.memory_space<hbm>> -> memref<1x250x80xi32, #tpu.memory_space<hbm>>
    %dma_start3A_7 = tpu.memref_squeeze %dma_start3A_6 : memref<1x250x80xi32, #tpu.memory_space<hbm>> -> memref<250x80xi32, #tpu.memory_space<hbm>>
    tpu.enqueue_dma source(%dma_start3A_7 : memref<250x80xi32, #tpu.memory_space<hbm>>) target(%arg7 : memref<250x80xi32, #tpu.memory_space<vmem>>) target_semaphore(%arg11 : memref<!tpu.dma_semaphore, #tpu.memory_space<semaphore_mem>>)
    %dma_start3A_8 = arith.constant 0 : i32
    %dma_start3A_9 = arith.constant 0 : i32
    %dma_start3A_10 = tpu.memref_slice %arg4[%arg1, %dma_start3A_8, %dma_start3A_9] : memref<16x250x80xi32, #tpu.memory_space<hbm>> -> memref<1x250x80xi32, #tpu.memory_space<hbm>>
    %dma_start3A_11 = tpu.memref_squeeze %dma_start3A_10 : memref<1x250x80xi32, #tpu.memory_space<hbm>> -> memref<250x80xi32, #tpu.memory_space<hbm>>
    %dma_start3A_12 = arith.constant 0 : i32
    %dma_start3A_13 = arith.constant 0 : i32
    %dma_start3A_14 = tpu.memref_slice %arg4[%arg1, %dma_start3A_12, %dma_start3A_13] : memref<16x250x80xi32, #tpu.memory_space<hbm>> -> memref<1x250x80xi32, #tpu.memory_space<hbm>>
    %dma_start3A_15 = tpu.memref_squeeze %dma_start3A_14 : memref<1x250x80xi32, #tpu.memory_space<hbm>> -> memref<250x80xi32, #tpu.memory_space<hbm>>
    tpu.enqueue_dma source(%dma_start3A_15 : memref<250x80xi32, #tpu.memory_space<hbm>>) target(%arg8 : memref<250x80xi32, #tpu.memory_space<vmem>>) target_semaphore(%arg11 : memref<!tpu.dma_semaphore, #tpu.memory_space<semaphore_mem>>)
    %mul3A_16 = arith.constant 640 : i32
    %mul3A_17 = arith.muli %arg1, %mul3A_16 : i32
    "tpu.region"() ({
      %run_scoped3A = tpu.sem_alloc : memref<!tpu.dma_semaphore, #tpu.memory_space<semaphore_mem>>
      %dma_start3A_166 = arith.constant 0 : i32
      %dma_start3A_167 = tpu.memref_slice %arg10[%mul3A_17, %dma_start3A_166] : memref<10240x64xf32, #tpu.memory_space<vmem_shared>> -> memref<640x64xf32, #tpu.memory_space<vmem_shared>>
      tpu.enqueue_dma source(%arg5 : memref<640x64xf32, #tpu.memory_space<hbm>>) target(%dma_start3A_167 : memref<640x64xf32, #tpu.memory_space<vmem_shared>>) target_semaphore(%run_scoped3A : memref<!tpu.dma_semaphore, #tpu.memory_space<semaphore_mem>>)
      %dma_wait3A_168 = arith.constant 0 : i32
      %dma_wait3A_169 = tpu.memref_slice %arg10[%mul3A_17, %dma_wait3A_168] : memref<10240x64xf32, #tpu.memory_space<vmem_shared>> -> memref<640x64xf32, #tpu.memory_space<vmem_shared>>
      tpu.wait_dma2 semaphore(%run_scoped3A : memref<!tpu.dma_semaphore, #tpu.memory_space<semaphore_mem>>) src(%arg5 : memref<640x64xf32, #tpu.memory_space<hbm>>) dst(%dma_wait3A_169 : memref<640x64xf32, #tpu.memory_space<vmem_shared>>)
      tpu.yield
    }) : () -> ()
    %dma_wait3A = arith.constant 0 : i32
    %dma_wait3A_18 = arith.constant 0 : i32
    %dma_wait3A_19 = tpu.memref_slice %arg3[%add3A, %dma_wait3A, %dma_wait3A_18] : memref<32x250x80xi32, #tpu.memory_space<hbm>> -> memref<1x250x80xi32, #tpu.memory_space<hbm>>
    %dma_wait3A_20 = tpu.memref_squeeze %dma_wait3A_19 : memref<1x250x80xi32, #tpu.memory_space<hbm>> -> memref<250x80xi32, #tpu.memory_space<hbm>>
    %dma_wait3A_21 = arith.constant 0 : i32
    %dma_wait3A_22 = arith.constant 0 : i32
    %dma_wait3A_23 = tpu.memref_slice %arg3[%add3A, %dma_wait3A_21, %dma_wait3A_22] : memref<32x250x80xi32, #tpu.memory_space<hbm>> -> memref<1x250x80xi32, #tpu.memory_space<hbm>>
    %dma_wait3A_24 = tpu.memref_squeeze %dma_wait3A_23 : memref<1x250x80xi32, #tpu.memory_space<hbm>> -> memref<250x80xi32, #tpu.memory_space<hbm>>
    tpu.wait_dma2 semaphore(%arg11 : memref<!tpu.dma_semaphore, #tpu.memory_space<semaphore_mem>>) src(%dma_wait3A_24 : memref<250x80xi32, #tpu.memory_space<hbm>>) dst(%arg7 : memref<250x80xi32, #tpu.memory_space<vmem>>)
    %dma_wait3A_25 = arith.constant 0 : i32
    %dma_wait3A_26 = arith.constant 0 : i32
    %dma_wait3A_27 = tpu.memref_slice %arg4[%arg1, %dma_wait3A_25, %dma_wait3A_26] : memref<16x250x80xi32, #tpu.memory_space<hbm>> -> memref<1x250x80xi32, #tpu.memory_space<hbm>>
    %dma_wait3A_28 = tpu.memref_squeeze %dma_wait3A_27 : memref<1x250x80xi32, #tpu.memory_space<hbm>> -> memref<250x80xi32, #tpu.memory_space<hbm>>
    %dma_wait3A_29 = arith.constant 0 : i32
    %dma_wait3A_30 = arith.constant 0 : i32
    %dma_wait3A_31 = tpu.memref_slice %arg4[%arg1, %dma_wait3A_29, %dma_wait3A_30] : memref<16x250x80xi32, #tpu.memory_space<hbm>> -> memref<1x250x80xi32, #tpu.memory_space<hbm>>
    %dma_wait3A_32 = tpu.memref_squeeze %dma_wait3A_31 : memref<1x250x80xi32, #tpu.memory_space<hbm>> -> memref<250x80xi32, #tpu.memory_space<hbm>>
    tpu.wait_dma2 semaphore(%arg11 : memref<!tpu.dma_semaphore, #tpu.memory_space<semaphore_mem>>) src(%dma_wait3A_32 : memref<250x80xi32, #tpu.memory_space<hbm>>) dst(%arg8 : memref<250x80xi32, #tpu.memory_space<vmem>>)
    %barrier3A = arith.constant 0 : index
    tpu.barrier barrier_id(%barrier3A)
    %dma_start3A_33 = arith.constant 0 : i32
    %dma_start3A_34 = arith.constant 0 : i32
    %dma_start3A_35 = arith.constant 0 : i32
    %dma_start3A_36 = arith.constant 0 : i32
    %dma_start3A_37 = tpu.memref_slice %arg9[%dma_start3A_34, %dma_start3A_35, %dma_start3A_36] : memref<5x80x64xf32, #tpu.memory_space<vmem>> -> memref<1x80x64xf32, #tpu.memory_space<vmem>>
    %dma_start3A_38 = tpu.memref_squeeze %dma_start3A_37 : memref<1x80x64xf32, #tpu.memory_space<vmem>> -> memref<80x64xf32, #tpu.memory_space<vmem>>
    %dma_start3A_39 = arith.constant 0 : i32
    %dma_start3A_40 = tpu.memref_slice %arg7[%dma_start3A_33, %dma_start3A_39] : memref<250x80xi32, #tpu.memory_space<vmem>> -> memref<1x80xi32, #tpu.memory_space<vmem>>
    %dma_start3A_41 = tpu.memref_squeeze %dma_start3A_40 : memref<1x80xi32, #tpu.memory_space<vmem>> -> memref<80xi32, #tpu.memory_space<vmem>>
    %dma_start3A_42 = arith.constant 0 : i32
    %dma_start3A_43 = arith.constant 0 : i32
    %dma_start3A_44 = tpu.memref_slice %arg2[%dma_start3A_42, %dma_start3A_43] : memref<20000x64xf32, #tpu.memory_space<hbm>> -> memref<20000x64xf32, #tpu.memory_space<hbm>>
    tpu.enqueue_indirect_dma source(%dma_start3A_44 : memref<20000x64xf32, #tpu.memory_space<hbm>>) target(%dma_start3A_38 : memref<80x64xf32, #tpu.memory_space<vmem>>) offsets(%dma_start3A_41 : memref<80xi32, #tpu.memory_space<vmem>>) semaphore(%arg11 : memref<!tpu.dma_semaphore, #tpu.memory_space<semaphore_mem>>)
    %dma_start3A_45 = arith.constant 1 : i32
    %dma_start3A_46 = arith.constant 1 : i32
    %dma_start3A_47 = arith.constant 0 : i32
    %dma_start3A_48 = arith.constant 0 : i32
    %dma_start3A_49 = tpu.memref_slice %arg9[%dma_start3A_46, %dma_start3A_47, %dma_start3A_48] : memref<5x80x64xf32, #tpu.memory_space<vmem>> -> memref<1x80x64xf32, #tpu.memory_space<vmem>>
    %dma_start3A_50 = tpu.memref_squeeze %dma_start3A_49 : memref<1x80x64xf32, #tpu.memory_space<vmem>> -> memref<80x64xf32, #tpu.memory_space<vmem>>
    %dma_start3A_51 = arith.constant 0 : i32
    %dma_start3A_52 = tpu.memref_slice %arg7[%dma_start3A_45, %dma_start3A_51] : memref<250x80xi32, #tpu.memory_space<vmem>> -> memref<1x80xi32, #tpu.memory_space<vmem>>
    %dma_start3A_53 = tpu.memref_squeeze %dma_start3A_52 : memref<1x80xi32, #tpu.memory_space<vmem>> -> memref<80xi32, #tpu.memory_space<vmem>>
    %dma_start3A_54 = arith.constant 0 : i32
    %dma_start3A_55 = arith.constant 0 : i32
    %dma_start3A_56 = tpu.memref_slice %arg2[%dma_start3A_54, %dma_start3A_55] : memref<20000x64xf32, #tpu.memory_space<hbm>> -> memref<20000x64xf32, #tpu.memory_space<hbm>>
    tpu.enqueue_indirect_dma source(%dma_start3A_56 : memref<20000x64xf32, #tpu.memory_space<hbm>>) target(%dma_start3A_50 : memref<80x64xf32, #tpu.memory_space<vmem>>) offsets(%dma_start3A_53 : memref<80xi32, #tpu.memory_space<vmem>>) semaphore(%arg11 : memref<!tpu.dma_semaphore, #tpu.memory_space<semaphore_mem>>)
    %dma_start3A_57 = arith.constant 2 : i32
    %dma_start3A_58 = arith.constant 2 : i32
    %dma_start3A_59 = arith.constant 0 : i32
    %dma_start3A_60 = arith.constant 0 : i32
    %dma_start3A_61 = tpu.memref_slice %arg9[%dma_start3A_58, %dma_start3A_59, %dma_start3A_60] : memref<5x80x64xf32, #tpu.memory_space<vmem>> -> memref<1x80x64xf32, #tpu.memory_space<vmem>>
    %dma_start3A_62 = tpu.memref_squeeze %dma_start3A_61 : memref<1x80x64xf32, #tpu.memory_space<vmem>> -> memref<80x64xf32, #tpu.memory_space<vmem>>
    %dma_start3A_63 = arith.constant 0 : i32
    %dma_start3A_64 = tpu.memref_slice %arg7[%dma_start3A_57, %dma_start3A_63] : memref<250x80xi32, #tpu.memory_space<vmem>> -> memref<1x80xi32, #tpu.memory_space<vmem>>
    %dma_start3A_65 = tpu.memref_squeeze %dma_start3A_64 : memref<1x80xi32, #tpu.memory_space<vmem>> -> memref<80xi32, #tpu.memory_space<vmem>>
    %dma_start3A_66 = arith.constant 0 : i32
    %dma_start3A_67 = arith.constant 0 : i32
    %dma_start3A_68 = tpu.memref_slice %arg2[%dma_start3A_66, %dma_start3A_67] : memref<20000x64xf32, #tpu.memory_space<hbm>> -> memref<20000x64xf32, #tpu.memory_space<hbm>>
    tpu.enqueue_indirect_dma source(%dma_start3A_68 : memref<20000x64xf32, #tpu.memory_space<hbm>>) target(%dma_start3A_62 : memref<80x64xf32, #tpu.memory_space<vmem>>) offsets(%dma_start3A_65 : memref<80xi32, #tpu.memory_space<vmem>>) semaphore(%arg11 : memref<!tpu.dma_semaphore, #tpu.memory_space<semaphore_mem>>)
    %dma_start3A_69 = arith.constant 3 : i32
    %dma_start3A_70 = arith.constant 3 : i32
    %dma_start3A_71 = arith.constant 0 : i32
    %dma_start3A_72 = arith.constant 0 : i32
    %dma_start3A_73 = tpu.memref_slice %arg9[%dma_start3A_70, %dma_start3A_71, %dma_start3A_72] : memref<5x80x64xf32, #tpu.memory_space<vmem>> -> memref<1x80x64xf32, #tpu.memory_space<vmem>>
    %dma_start3A_74 = tpu.memref_squeeze %dma_start3A_73 : memref<1x80x64xf32, #tpu.memory_space<vmem>> -> memref<80x64xf32, #tpu.memory_space<vmem>>
    %dma_start3A_75 = arith.constant 0 : i32
    %dma_start3A_76 = tpu.memref_slice %arg7[%dma_start3A_69, %dma_start3A_75] : memref<250x80xi32, #tpu.memory_space<vmem>> -> memref<1x80xi32, #tpu.memory_space<vmem>>
    %dma_start3A_77 = tpu.memref_squeeze %dma_start3A_76 : memref<1x80xi32, #tpu.memory_space<vmem>> -> memref<80xi32, #tpu.memory_space<vmem>>
    %dma_start3A_78 = arith.constant 0 : i32
    %dma_start3A_79 = arith.constant 0 : i32
    %dma_start3A_80 = tpu.memref_slice %arg2[%dma_start3A_78, %dma_start3A_79] : memref<20000x64xf32, #tpu.memory_space<hbm>> -> memref<20000x64xf32, #tpu.memory_space<hbm>>
    tpu.enqueue_indirect_dma source(%dma_start3A_80 : memref<20000x64xf32, #tpu.memory_space<hbm>>) target(%dma_start3A_74 : memref<80x64xf32, #tpu.memory_space<vmem>>) offsets(%dma_start3A_77 : memref<80xi32, #tpu.memory_space<vmem>>) semaphore(%arg11 : memref<!tpu.dma_semaphore, #tpu.memory_space<semaphore_mem>>)
    %scan3A = arith.constant 0 : i32
    %scan3A_81 = arith.constant 0 : i32
    %scan3A_82 = arith.constant 50 : i32
    %scan3A_83 = arith.addi %scan3A_81, %scan3A_82 : i32
    %scan3A_84 = arith.constant 1 : i32
    scf.for %scan3A_166 = %scan3A_81 to %scan3A_83 step %scan3A_84  : i32 {
      %mul3A_167 = arith.constant 5 : i32
      %mul3A_168 = arith.muli %mul3A_167, %scan3A_166 : i32
      %add3A_169 = arith.constant 0 : i32
      %add3A_170 = arith.addi %mul3A_168, %add3A_169 : i32
      %dma_wait3A_171 = arith.constant 0 : i32
      %dma_wait3A_172 = arith.constant 0 : i32
      %dma_wait3A_173 = arith.constant 0 : i32
      %dma_wait3A_174 = tpu.memref_slice %arg9[%dma_wait3A_171, %dma_wait3A_172, %dma_wait3A_173] : memref<5x80x64xf32, #tpu.memory_space<vmem>> -> memref<1x80x64xf32, #tpu.memory_space<vmem>>
      %dma_wait3A_175 = tpu.memref_squeeze %dma_wait3A_174 : memref<1x80x64xf32, #tpu.memory_space<vmem>> -> memref<80x64xf32, #tpu.memory_space<vmem>>
      %dma_wait3A_176 = arith.constant 0 : i32
      %dma_wait3A_177 = arith.constant 0 : i32
      %dma_wait3A_178 = tpu.memref_slice %arg2[%dma_wait3A_176, %dma_wait3A_177] : memref<20000x64xf32, #tpu.memory_space<hbm>> -> memref<80x64xf32, #tpu.memory_space<hbm>>
      %dma_wait3A_179 = arith.constant 0 : i32
      %dma_wait3A_180 = arith.constant 0 : i32
      %dma_wait3A_181 = tpu.memref_slice %arg9[%dma_wait3A_171, %dma_wait3A_179, %dma_wait3A_180] : memref<5x80x64xf32, #tpu.memory_space<vmem>> -> memref<1x80x64xf32, #tpu.memory_space<vmem>>
      %dma_wait3A_182 = tpu.memref_squeeze %dma_wait3A_181 : memref<1x80x64xf32, #tpu.memory_space<vmem>> -> memref<80x64xf32, #tpu.memory_space<vmem>>
      %dma_wait3A_183 = arith.constant 0 : i32
      %dma_wait3A_184 = arith.constant 0 : i32
      %dma_wait3A_185 = tpu.memref_slice %arg2[%dma_wait3A_183, %dma_wait3A_184] : memref<20000x64xf32, #tpu.memory_space<hbm>> -> memref<80x64xf32, #tpu.memory_space<hbm>>
      tpu.wait_dma2 semaphore(%arg11 : memref<!tpu.dma_semaphore, #tpu.memory_space<semaphore_mem>>) src(%dma_wait3A_185 : memref<80x64xf32, #tpu.memory_space<hbm>>) dst(%dma_wait3A_182 : memref<80x64xf32, #tpu.memory_space<vmem>>)
      %dma_start3A_186 = arith.constant 0 : i32
      %dma_start3A_187 = arith.constant 0 : i32
      %dma_start3A_188 = arith.constant 0 : i32
      %dma_start3A_189 = tpu.memref_slice %arg9[%dma_start3A_186, %dma_start3A_187, %dma_start3A_188] : memref<5x80x64xf32, #tpu.memory_space<vmem>> -> memref<1x80x64xf32, #tpu.memory_space<vmem>>
      %dma_start3A_190 = tpu.memref_squeeze %dma_start3A_189 : memref<1x80x64xf32, #tpu.memory_space<vmem>> -> memref<80x64xf32, #tpu.memory_space<vmem>>
      %dma_start3A_191 = arith.constant 0 : i32
      %dma_start3A_192 = tpu.memref_slice %arg8[%add3A_170, %dma_start3A_191] : memref<250x80xi32, #tpu.memory_space<vmem>> -> memref<1x80xi32, #tpu.memory_space<vmem>>
      %dma_start3A_193 = tpu.memref_squeeze %dma_start3A_192 : memref<1x80xi32, #tpu.memory_space<vmem>> -> memref<80xi32, #tpu.memory_space<vmem>>
      %dma_start3A_194 = arith.constant 0 : i32
      %dma_start3A_195 = arith.constant 0 : i32
      %dma_start3A_196 = tpu.memref_slice %arg10[%dma_start3A_194, %dma_start3A_195] : memref<10240x64xf32, #tpu.memory_space<vmem_shared>> -> memref<10240x64xf32, #tpu.memory_space<vmem_shared>>
      tpu.enqueue_indirect_dma source(%dma_start3A_190 : memref<80x64xf32, #tpu.memory_space<vmem>>) target(%dma_start3A_196 : memref<10240x64xf32, #tpu.memory_space<vmem_shared>>) offsets(%dma_start3A_193 : memref<80xi32, #tpu.memory_space<vmem>>) semaphore(%arg12 : memref<!tpu.dma_semaphore, #tpu.memory_space<semaphore_mem>>) {add = true}
      %add3A_197 = arith.constant 5 : i32
      %add3A_198 = arith.addi %add3A_170, %add3A_197 : i32
      %sub3A = arith.constant 1 : i32
      %sub3A_199 = arith.subi %add3A_198, %sub3A : i32
      %ge3A = arith.constant 1 : i32
      %ge3A_200 = arith.cmpi sge, %add3A_170, %ge3A : i32
      %lt3A = arith.constant 250 : i32
      %lt3A_201 = arith.cmpi slt, %sub3A_199, %lt3A : i32
      %and3A = arith.andi %ge3A_200, %lt3A_201 : i1
      %convert_element_type3A = arith.extui %and3A : i1 to i32
      %cond3A = arith.constant 0 : i32
      %cond3A_202 = arith.cmpi ne, %convert_element_type3A, %cond3A : i32
      scf.if %cond3A_202 {
        %dma_wait3A_396 = arith.constant 4 : i32
        %dma_wait3A_397 = arith.constant 0 : i32
        %dma_wait3A_398 = arith.constant 0 : i32
        %dma_wait3A_399 = tpu.memref_slice %arg9[%dma_wait3A_396, %dma_wait3A_397, %dma_wait3A_398] : memref<5x80x64xf32, #tpu.memory_space<vmem>> -> memref<1x80x64xf32, #tpu.memory_space<vmem>>
        %dma_wait3A_400 = tpu.memref_squeeze %dma_wait3A_399 : memref<1x80x64xf32, #tpu.memory_space<vmem>> -> memref<80x64xf32, #tpu.memory_space<vmem>>
        %dma_wait3A_401 = arith.constant 0 : i32
        %dma_wait3A_402 = arith.constant 0 : i32
        %dma_wait3A_403 = tpu.memref_slice %arg2[%dma_wait3A_401, %dma_wait3A_402] : memref<20000x64xf32, #tpu.memory_space<hbm>> -> memref<80x64xf32, #tpu.memory_space<hbm>>
        %dma_wait3A_404 = arith.constant 0 : i32
        %dma_wait3A_405 = arith.constant 0 : i32
        %dma_wait3A_406 = tpu.memref_slice %arg9[%dma_wait3A_396, %dma_wait3A_404, %dma_wait3A_405] : memref<5x80x64xf32, #tpu.memory_space<vmem>> -> memref<1x80x64xf32, #tpu.memory_space<vmem>>
        %dma_wait3A_407 = tpu.memref_squeeze %dma_wait3A_406 : memref<1x80x64xf32, #tpu.memory_space<vmem>> -> memref<80x64xf32, #tpu.memory_space<vmem>>
        %dma_wait3A_408 = arith.constant 0 : i32
        %dma_wait3A_409 = arith.constant 0 : i32
        %dma_wait3A_410 = tpu.memref_slice %arg2[%dma_wait3A_408, %dma_wait3A_409] : memref<20000x64xf32, #tpu.memory_space<hbm>> -> memref<80x64xf32, #tpu.memory_space<hbm>>
        tpu.wait_dma2 semaphore(%arg12 : memref<!tpu.dma_semaphore, #tpu.memory_space<semaphore_mem>>) src(%dma_wait3A_410 : memref<80x64xf32, #tpu.memory_space<hbm>>) dst(%dma_wait3A_407 : memref<80x64xf32, #tpu.memory_space<vmem>>)
      } else {
      }
      %lt3A_203 = arith.constant 250 : i32
      %lt3A_204 = arith.cmpi slt, %sub3A_199, %lt3A_203 : i32
      %convert_element_type3A_205 = arith.extui %lt3A_204 : i1 to i32
      %cond3A_206 = arith.constant 0 : i32
      %cond3A_207 = arith.cmpi ne, %convert_element_type3A_205, %cond3A_206 : i32
      scf.if %cond3A_207 {
        %dma_start3A_396 = arith.constant 4 : i32
        %dma_start3A_397 = arith.constant 0 : i32
        %dma_start3A_398 = arith.constant 0 : i32
        %dma_start3A_399 = tpu.memref_slice %arg9[%dma_start3A_396, %dma_start3A_397, %dma_start3A_398] : memref<5x80x64xf32, #tpu.memory_space<vmem>> -> memref<1x80x64xf32, #tpu.memory_space<vmem>>
        %dma_start3A_400 = tpu.memref_squeeze %dma_start3A_399 : memref<1x80x64xf32, #tpu.memory_space<vmem>> -> memref<80x64xf32, #tpu.memory_space<vmem>>
        %dma_start3A_401 = arith.constant 0 : i32
        %dma_start3A_402 = tpu.memref_slice %arg7[%sub3A_199, %dma_start3A_401] : memref<250x80xi32, #tpu.memory_space<vmem>> -> memref<1x80xi32, #tpu.memory_space<vmem>>
        %dma_start3A_403 = tpu.memref_squeeze %dma_start3A_402 : memref<1x80xi32, #tpu.memory_space<vmem>> -> memref<80xi32, #tpu.memory_space<vmem>>
        %dma_start3A_404 = arith.constant 0 : i32
        %dma_start3A_405 = arith.constant 0 : i32
        %dma_start3A_406 = tpu.memref_slice %arg2[%dma_start3A_404, %dma_start3A_405] : memref<20000x64xf32, #tpu.memory_space<hbm>> -> memref<20000x64xf32, #tpu.memory_space<hbm>>
        tpu.enqueue_indirect_dma source(%dma_start3A_406 : memref<20000x64xf32, #tpu.memory_space<hbm>>) target(%dma_start3A_400 : memref<80x64xf32, #tpu.memory_space<vmem>>) offsets(%dma_start3A_403 : memref<80xi32, #tpu.memory_space<vmem>>) semaphore(%arg11 : memref<!tpu.dma_semaphore, #tpu.memory_space<semaphore_mem>>)
      } else {
      }
      %mul3A_208 = arith.constant 5 : i32
      %mul3A_209 = arith.muli %mul3A_208, %scan3A_166 : i32
      %add3A_210 = arith.constant 1 : i32
      %add3A_211 = arith.addi %mul3A_209, %add3A_210 : i32
      %dma_wait3A_212 = arith.constant 1 : i32
      %dma_wait3A_213 = arith.constant 0 : i32
      %dma_wait3A_214 = arith.constant 0 : i32
      %dma_wait3A_215 = tpu.memref_slice %arg9[%dma_wait3A_212, %dma_wait3A_213, %dma_wait3A_214] : memref<5x80x64xf32, #tpu.memory_space<vmem>> -> memref<1x80x64xf32, #tpu.memory_space<vmem>>
      %dma_wait3A_216 = tpu.memref_squeeze %dma_wait3A_215 : memref<1x80x64xf32, #tpu.memory_space<vmem>> -> memref<80x64xf32, #tpu.memory_space<vmem>>
      %dma_wait3A_217 = arith.constant 0 : i32
      %dma_wait3A_218 = arith.constant 0 : i32
      %dma_wait3A_219 = tpu.memref_slice %arg2[%dma_wait3A_217, %dma_wait3A_218] : memref<20000x64xf32, #tpu.memory_space<hbm>> -> memref<80x64xf32, #tpu.memory_space<hbm>>
      %dma_wait3A_220 = arith.constant 0 : i32
      %dma_wait3A_221 = arith.constant 0 : i32
      %dma_wait3A_222 = tpu.memref_slice %arg9[%dma_wait3A_212, %dma_wait3A_220, %dma_wait3A_221] : memref<5x80x64xf32, #tpu.memory_space<vmem>> -> memref<1x80x64xf32, #tpu.memory_space<vmem>>
      %dma_wait3A_223 = tpu.memref_squeeze %dma_wait3A_222 : memref<1x80x64xf32, #tpu.memory_space<vmem>> -> memref<80x64xf32, #tpu.memory_space<vmem>>
      %dma_wait3A_224 = arith.constant 0 : i32
      %dma_wait3A_225 = arith.constant 0 : i32
      %dma_wait3A_226 = tpu.memref_slice %arg2[%dma_wait3A_224, %dma_wait3A_225] : memref<20000x64xf32, #tpu.memory_space<hbm>> -> memref<80x64xf32, #tpu.memory_space<hbm>>
      tpu.wait_dma2 semaphore(%arg11 : memref<!tpu.dma_semaphore, #tpu.memory_space<semaphore_mem>>) src(%dma_wait3A_226 : memref<80x64xf32, #tpu.memory_space<hbm>>) dst(%dma_wait3A_223 : memref<80x64xf32, #tpu.memory_space<vmem>>)
      %dma_start3A_227 = arith.constant 1 : i32
      %dma_start3A_228 = arith.constant 0 : i32
      %dma_start3A_229 = arith.constant 0 : i32
      %dma_start3A_230 = tpu.memref_slice %arg9[%dma_start3A_227, %dma_start3A_228, %dma_start3A_229] : memref<5x80x64xf32, #tpu.memory_space<vmem>> -> memref<1x80x64xf32, #tpu.memory_space<vmem>>
      %dma_start3A_231 = tpu.memref_squeeze %dma_start3A_230 : memref<1x80x64xf32, #tpu.memory_space<vmem>> -> memref<80x64xf32, #tpu.memory_space<vmem>>
      %dma_start3A_232 = arith.constant 0 : i32
      %dma_start3A_233 = tpu.memref_slice %arg8[%add3A_211, %dma_start3A_232] : memref<250x80xi32, #tpu.memory_space<vmem>> -> memref<1x80xi32, #tpu.memory_space<vmem>>
      %dma_start3A_234 = tpu.memref_squeeze %dma_start3A_233 : memref<1x80xi32, #tpu.memory_space<vmem>> -> memref<80xi32, #tpu.memory_space<vmem>>
      %dma_start3A_235 = arith.constant 0 : i32
      %dma_start3A_236 = arith.constant 0 : i32
      %dma_start3A_237 = tpu.memref_slice %arg10[%dma_start3A_235, %dma_start3A_236] : memref<10240x64xf32, #tpu.memory_space<vmem_shared>> -> memref<10240x64xf32, #tpu.memory_space<vmem_shared>>
      tpu.enqueue_indirect_dma source(%dma_start3A_231 : memref<80x64xf32, #tpu.memory_space<vmem>>) target(%dma_start3A_237 : memref<10240x64xf32, #tpu.memory_space<vmem_shared>>) offsets(%dma_start3A_234 : memref<80xi32, #tpu.memory_space<vmem>>) semaphore(%arg12 : memref<!tpu.dma_semaphore, #tpu.memory_space<semaphore_mem>>) {add = true}
      %add3A_238 = arith.constant 5 : i32
      %add3A_239 = arith.addi %add3A_211, %add3A_238 : i32
      %sub3A_240 = arith.constant 1 : i32
      %sub3A_241 = arith.subi %add3A_239, %sub3A_240 : i32
      %ge3A_242 = arith.constant 1 : i32
      %ge3A_243 = arith.cmpi sge, %add3A_211, %ge3A_242 : i32
      %lt3A_244 = arith.constant 250 : i32
      %lt3A_245 = arith.cmpi slt, %sub3A_241, %lt3A_244 : i32
      %and3A_246 = arith.andi %ge3A_243, %lt3A_245 : i1
      %convert_element_type3A_247 = arith.extui %and3A_246 : i1 to i32
      %cond3A_248 = arith.constant 0 : i32
      %cond3A_249 = arith.cmpi ne, %convert_element_type3A_247, %cond3A_248 : i32
      scf.if %cond3A_249 {
        %dma_wait3A_396 = arith.constant 0 : i32
        %dma_wait3A_397 = arith.constant 0 : i32
        %dma_wait3A_398 = arith.constant 0 : i32
        %dma_wait3A_399 = tpu.memref_slice %arg9[%dma_wait3A_396, %dma_wait3A_397, %dma_wait3A_398] : memref<5x80x64xf32, #tpu.memory_space<vmem>> -> memref<1x80x64xf32, #tpu.memory_space<vmem>>
        %dma_wait3A_400 = tpu.memref_squeeze %dma_wait3A_399 : memref<1x80x64xf32, #tpu.memory_space<vmem>> -> memref<80x64xf32, #tpu.memory_space<vmem>>
        %dma_wait3A_401 = arith.constant 0 : i32
        %dma_wait3A_402 = arith.constant 0 : i32
        %dma_wait3A_403 = tpu.memref_slice %arg2[%dma_wait3A_401, %dma_wait3A_402] : memref<20000x64xf32, #tpu.memory_space<hbm>> -> memref<80x64xf32, #tpu.memory_space<hbm>>
        %dma_wait3A_404 = arith.constant 0 : i32
        %dma_wait3A_405 = arith.constant 0 : i32
        %dma_wait3A_406 = tpu.memref_slice %arg9[%dma_wait3A_396, %dma_wait3A_404, %dma_wait3A_405] : memref<5x80x64xf32, #tpu.memory_space<vmem>> -> memref<1x80x64xf32, #tpu.memory_space<vmem>>
        %dma_wait3A_407 = tpu.memref_squeeze %dma_wait3A_406 : memref<1x80x64xf32, #tpu.memory_space<vmem>> -> memref<80x64xf32, #tpu.memory_space<vmem>>
        %dma_wait3A_408 = arith.constant 0 : i32
        %dma_wait3A_409 = arith.constant 0 : i32
        %dma_wait3A_410 = tpu.memref_slice %arg2[%dma_wait3A_408, %dma_wait3A_409] : memref<20000x64xf32, #tpu.memory_space<hbm>> -> memref<80x64xf32, #tpu.memory_space<hbm>>
        tpu.wait_dma2 semaphore(%arg12 : memref<!tpu.dma_semaphore, #tpu.memory_space<semaphore_mem>>) src(%dma_wait3A_410 : memref<80x64xf32, #tpu.memory_space<hbm>>) dst(%dma_wait3A_407 : memref<80x64xf32, #tpu.memory_space<vmem>>)
      } else {
      }
      %lt3A_250 = arith.constant 250 : i32
      %lt3A_251 = arith.cmpi slt, %sub3A_241, %lt3A_250 : i32
      %convert_element_type3A_252 = arith.extui %lt3A_251 : i1 to i32
      %cond3A_253 = arith.constant 0 : i32
      %cond3A_254 = arith.cmpi ne, %convert_element_type3A_252, %cond3A_253 : i32
      scf.if %cond3A_254 {
        %dma_start3A_396 = arith.constant 0 : i32
        %dma_start3A_397 = arith.constant 0 : i32
        %dma_start3A_398 = arith.constant 0 : i32
        %dma_start3A_399 = tpu.memref_slice %arg9[%dma_start3A_396, %dma_start3A_397, %dma_start3A_398] : memref<5x80x64xf32, #tpu.memory_space<vmem>> -> memref<1x80x64xf32, #tpu.memory_space<vmem>>
        %dma_start3A_400 = tpu.memref_squeeze %dma_start3A_399 : memref<1x80x64xf32, #tpu.memory_space<vmem>> -> memref<80x64xf32, #tpu.memory_space<vmem>>
        %dma_start3A_401 = arith.constant 0 : i32
        %dma_start3A_402 = tpu.memref_slice %arg7[%sub3A_241, %dma_start3A_401] : memref<250x80xi32, #tpu.memory_space<vmem>> -> memref<1x80xi32, #tpu.memory_space<vmem>>
        %dma_start3A_403 = tpu.memref_squeeze %dma_start3A_402 : memref<1x80xi32, #tpu.memory_space<vmem>> -> memref<80xi32, #tpu.memory_space<vmem>>
        %dma_start3A_404 = arith.constant 0 : i32
        %dma_start3A_405 = arith.constant 0 : i32
        %dma_start3A_406 = tpu.memref_slice %arg2[%dma_start3A_404, %dma_start3A_405] : memref<20000x64xf32, #tpu.memory_space<hbm>> -> memref<20000x64xf32, #tpu.memory_space<hbm>>
        tpu.enqueue_indirect_dma source(%dma_start3A_406 : memref<20000x64xf32, #tpu.memory_space<hbm>>) target(%dma_start3A_400 : memref<80x64xf32, #tpu.memory_space<vmem>>) offsets(%dma_start3A_403 : memref<80xi32, #tpu.memory_space<vmem>>) semaphore(%arg11 : memref<!tpu.dma_semaphore, #tpu.memory_space<semaphore_mem>>)
      } else {
      }
      %mul3A_255 = arith.constant 5 : i32
      %mul3A_256 = arith.muli %mul3A_255, %scan3A_166 : i32
      %add3A_257 = arith.constant 2 : i32
      %add3A_258 = arith.addi %mul3A_256, %add3A_257 : i32
      %dma_wait3A_259 = arith.constant 2 : i32
      %dma_wait3A_260 = arith.constant 0 : i32
      %dma_wait3A_261 = arith.constant 0 : i32
      %dma_wait3A_262 = tpu.memref_slice %arg9[%dma_wait3A_259, %dma_wait3A_260, %dma_wait3A_261] : memref<5x80x64xf32, #tpu.memory_space<vmem>> -> memref<1x80x64xf32, #tpu.memory_space<vmem>>
      %dma_wait3A_263 = tpu.memref_squeeze %dma_wait3A_262 : memref<1x80x64xf32, #tpu.memory_space<vmem>> -> memref<80x64xf32, #tpu.memory_space<vmem>>
      %dma_wait3A_264 = arith.constant 0 : i32
      %dma_wait3A_265 = arith.constant 0 : i32
      %dma_wait3A_266 = tpu.memref_slice %arg2[%dma_wait3A_264, %dma_wait3A_265] : memref<20000x64xf32, #tpu.memory_space<hbm>> -> memref<80x64xf32, #tpu.memory_space<hbm>>
      %dma_wait3A_267 = arith.constant 0 : i32
      %dma_wait3A_268 = arith.constant 0 : i32
      %dma_wait3A_269 = tpu.memref_slice %arg9[%dma_wait3A_259, %dma_wait3A_267, %dma_wait3A_268] : memref<5x80x64xf32, #tpu.memory_space<vmem>> -> memref<1x80x64xf32, #tpu.memory_space<vmem>>
      %dma_wait3A_270 = tpu.memref_squeeze %dma_wait3A_269 : memref<1x80x64xf32, #tpu.memory_space<vmem>> -> memref<80x64xf32, #tpu.memory_space<vmem>>
      %dma_wait3A_271 = arith.constant 0 : i32
      %dma_wait3A_272 = arith.constant 0 : i32
      %dma_wait3A_273 = tpu.memref_slice %arg2[%dma_wait3A_271, %dma_wait3A_272] : memref<20000x64xf32, #tpu.memory_space<hbm>> -> memref<80x64xf32, #tpu.memory_space<hbm>>
      tpu.wait_dma2 semaphore(%arg11 : memref<!tpu.dma_semaphore, #tpu.memory_space<semaphore_mem>>) src(%dma_wait3A_273 : memref<80x64xf32, #tpu.memory_space<hbm>>) dst(%dma_wait3A_270 : memref<80x64xf32, #tpu.memory_space<vmem>>)
      %dma_start3A_274 = arith.constant 2 : i32
      %dma_start3A_275 = arith.constant 0 : i32
      %dma_start3A_276 = arith.constant 0 : i32
      %dma_start3A_277 = tpu.memref_slice %arg9[%dma_start3A_274, %dma_start3A_275, %dma_start3A_276] : memref<5x80x64xf32, #tpu.memory_space<vmem>> -> memref<1x80x64xf32, #tpu.memory_space<vmem>>
      %dma_start3A_278 = tpu.memref_squeeze %dma_start3A_277 : memref<1x80x64xf32, #tpu.memory_space<vmem>> -> memref<80x64xf32, #tpu.memory_space<vmem>>
      %dma_start3A_279 = arith.constant 0 : i32
      %dma_start3A_280 = tpu.memref_slice %arg8[%add3A_258, %dma_start3A_279] : memref<250x80xi32, #tpu.memory_space<vmem>> -> memref<1x80xi32, #tpu.memory_space<vmem>>
      %dma_start3A_281 = tpu.memref_squeeze %dma_start3A_280 : memref<1x80xi32, #tpu.memory_space<vmem>> -> memref<80xi32, #tpu.memory_space<vmem>>
      %dma_start3A_282 = arith.constant 0 : i32
      %dma_start3A_283 = arith.constant 0 : i32
      %dma_start3A_284 = tpu.memref_slice %arg10[%dma_start3A_282, %dma_start3A_283] : memref<10240x64xf32, #tpu.memory_space<vmem_shared>> -> memref<10240x64xf32, #tpu.memory_space<vmem_shared>>
      tpu.enqueue_indirect_dma source(%dma_start3A_278 : memref<80x64xf32, #tpu.memory_space<vmem>>) target(%dma_start3A_284 : memref<10240x64xf32, #tpu.memory_space<vmem_shared>>) offsets(%dma_start3A_281 : memref<80xi32, #tpu.memory_space<vmem>>) semaphore(%arg12 : memref<!tpu.dma_semaphore, #tpu.memory_space<semaphore_mem>>) {add = true}
      %add3A_285 = arith.constant 5 : i32
      %add3A_286 = arith.addi %add3A_258, %add3A_285 : i32
      %sub3A_287 = arith.constant 1 : i32
      %sub3A_288 = arith.subi %add3A_286, %sub3A_287 : i32
      %ge3A_289 = arith.constant 1 : i32
      %ge3A_290 = arith.cmpi sge, %add3A_258, %ge3A_289 : i32
      %lt3A_291 = arith.constant 250 : i32
      %lt3A_292 = arith.cmpi slt, %sub3A_288, %lt3A_291 : i32
      %and3A_293 = arith.andi %ge3A_290, %lt3A_292 : i1
      %convert_element_type3A_294 = arith.extui %and3A_293 : i1 to i32
      %cond3A_295 = arith.constant 0 : i32
      %cond3A_296 = arith.cmpi ne, %convert_element_type3A_294, %cond3A_295 : i32
      scf.if %cond3A_296 {
        %dma_wait3A_396 = arith.constant 1 : i32
        %dma_wait3A_397 = arith.constant 0 : i32
        %dma_wait3A_398 = arith.constant 0 : i32
        %dma_wait3A_399 = tpu.memref_slice %arg9[%dma_wait3A_396, %dma_wait3A_397, %dma_wait3A_398] : memref<5x80x64xf32, #tpu.memory_space<vmem>> -> memref<1x80x64xf32, #tpu.memory_space<vmem>>
        %dma_wait3A_400 = tpu.memref_squeeze %dma_wait3A_399 : memref<1x80x64xf32, #tpu.memory_space<vmem>> -> memref<80x64xf32, #tpu.memory_space<vmem>>
        %dma_wait3A_401 = arith.constant 0 : i32
        %dma_wait3A_402 = arith.constant 0 : i32
        %dma_wait3A_403 = tpu.memref_slice %arg2[%dma_wait3A_401, %dma_wait3A_402] : memref<20000x64xf32, #tpu.memory_space<hbm>> -> memref<80x64xf32, #tpu.memory_space<hbm>>
        %dma_wait3A_404 = arith.constant 0 : i32
        %dma_wait3A_405 = arith.constant 0 : i32
        %dma_wait3A_406 = tpu.memref_slice %arg9[%dma_wait3A_396, %dma_wait3A_404, %dma_wait3A_405] : memref<5x80x64xf32, #tpu.memory_space<vmem>> -> memref<1x80x64xf32, #tpu.memory_space<vmem>>
        %dma_wait3A_407 = tpu.memref_squeeze %dma_wait3A_406 : memref<1x80x64xf32, #tpu.memory_space<vmem>> -> memref<80x64xf32, #tpu.memory_space<vmem>>
        %dma_wait3A_408 = arith.constant 0 : i32
        %dma_wait3A_409 = arith.constant 0 : i32
        %dma_wait3A_410 = tpu.memref_slice %arg2[%dma_wait3A_408, %dma_wait3A_409] : memref<20000x64xf32, #tpu.memory_space<hbm>> -> memref<80x64xf32, #tpu.memory_space<hbm>>
        tpu.wait_dma2 semaphore(%arg12 : memref<!tpu.dma_semaphore, #tpu.memory_space<semaphore_mem>>) src(%dma_wait3A_410 : memref<80x64xf32, #tpu.memory_space<hbm>>) dst(%dma_wait3A_407 : memref<80x64xf32, #tpu.memory_space<vmem>>)
      } else {
      }
      %lt3A_297 = arith.constant 250 : i32
      %lt3A_298 = arith.cmpi slt, %sub3A_288, %lt3A_297 : i32
      %convert_element_type3A_299 = arith.extui %lt3A_298 : i1 to i32
      %cond3A_300 = arith.constant 0 : i32
      %cond3A_301 = arith.cmpi ne, %convert_element_type3A_299, %cond3A_300 : i32
      scf.if %cond3A_301 {
        %dma_start3A_396 = arith.constant 1 : i32
        %dma_start3A_397 = arith.constant 0 : i32
        %dma_start3A_398 = arith.constant 0 : i32
        %dma_start3A_399 = tpu.memref_slice %arg9[%dma_start3A_396, %dma_start3A_397, %dma_start3A_398] : memref<5x80x64xf32, #tpu.memory_space<vmem>> -> memref<1x80x64xf32, #tpu.memory_space<vmem>>
        %dma_start3A_400 = tpu.memref_squeeze %dma_start3A_399 : memref<1x80x64xf32, #tpu.memory_space<vmem>> -> memref<80x64xf32, #tpu.memory_space<vmem>>
        %dma_start3A_401 = arith.constant 0 : i32
        %dma_start3A_402 = tpu.memref_slice %arg7[%sub3A_288, %dma_start3A_401] : memref<250x80xi32, #tpu.memory_space<vmem>> -> memref<1x80xi32, #tpu.memory_space<vmem>>
        %dma_start3A_403 = tpu.memref_squeeze %dma_start3A_402 : memref<1x80xi32, #tpu.memory_space<vmem>> -> memref<80xi32, #tpu.memory_space<vmem>>
        %dma_start3A_404 = arith.constant 0 : i32
        %dma_start3A_405 = arith.constant 0 : i32
        %dma_start3A_406 = tpu.memref_slice %arg2[%dma_start3A_404, %dma_start3A_405] : memref<20000x64xf32, #tpu.memory_space<hbm>> -> memref<20000x64xf32, #tpu.memory_space<hbm>>
        tpu.enqueue_indirect_dma source(%dma_start3A_406 : memref<20000x64xf32, #tpu.memory_space<hbm>>) target(%dma_start3A_400 : memref<80x64xf32, #tpu.memory_space<vmem>>) offsets(%dma_start3A_403 : memref<80xi32, #tpu.memory_space<vmem>>) semaphore(%arg11 : memref<!tpu.dma_semaphore, #tpu.memory_space<semaphore_mem>>)
      } else {
      }
      %mul3A_302 = arith.constant 5 : i32
      %mul3A_303 = arith.muli %mul3A_302, %scan3A_166 : i32
      %add3A_304 = arith.constant 3 : i32
      %add3A_305 = arith.addi %mul3A_303, %add3A_304 : i32
      %dma_wait3A_306 = arith.constant 3 : i32
      %dma_wait3A_307 = arith.constant 0 : i32
      %dma_wait3A_308 = arith.constant 0 : i32
      %dma_wait3A_309 = tpu.memref_slice %arg9[%dma_wait3A_306, %dma_wait3A_307, %dma_wait3A_308] : memref<5x80x64xf32, #tpu.memory_space<vmem>> -> memref<1x80x64xf32, #tpu.memory_space<vmem>>
      %dma_wait3A_310 = tpu.memref_squeeze %dma_wait3A_309 : memref<1x80x64xf32, #tpu.memory_space<vmem>> -> memref<80x64xf32, #tpu.memory_space<vmem>>
      %dma_wait3A_311 = arith.constant 0 : i32
      %dma_wait3A_312 = arith.constant 0 : i32
      %dma_wait3A_313 = tpu.memref_slice %arg2[%dma_wait3A_311, %dma_wait3A_312] : memref<20000x64xf32, #tpu.memory_space<hbm>> -> memref<80x64xf32, #tpu.memory_space<hbm>>
      %dma_wait3A_314 = arith.constant 0 : i32
      %dma_wait3A_315 = arith.constant 0 : i32
      %dma_wait3A_316 = tpu.memref_slice %arg9[%dma_wait3A_306, %dma_wait3A_314, %dma_wait3A_315] : memref<5x80x64xf32, #tpu.memory_space<vmem>> -> memref<1x80x64xf32, #tpu.memory_space<vmem>>
      %dma_wait3A_317 = tpu.memref_squeeze %dma_wait3A_316 : memref<1x80x64xf32, #tpu.memory_space<vmem>> -> memref<80x64xf32, #tpu.memory_space<vmem>>
      %dma_wait3A_318 = arith.constant 0 : i32
      %dma_wait3A_319 = arith.constant 0 : i32
      %dma_wait3A_320 = tpu.memref_slice %arg2[%dma_wait3A_318, %dma_wait3A_319] : memref<20000x64xf32, #tpu.memory_space<hbm>> -> memref<80x64xf32, #tpu.memory_space<hbm>>
      tpu.wait_dma2 semaphore(%arg11 : memref<!tpu.dma_semaphore, #tpu.memory_space<semaphore_mem>>) src(%dma_wait3A_320 : memref<80x64xf32, #tpu.memory_space<hbm>>) dst(%dma_wait3A_317 : memref<80x64xf32, #tpu.memory_space<vmem>>)
      %dma_start3A_321 = arith.constant 3 : i32
      %dma_start3A_322 = arith.constant 0 : i32
      %dma_start3A_323 = arith.constant 0 : i32
      %dma_start3A_324 = tpu.memref_slice %arg9[%dma_start3A_321, %dma_start3A_322, %dma_start3A_323] : memref<5x80x64xf32, #tpu.memory_space<vmem>> -> memref<1x80x64xf32, #tpu.memory_space<vmem>>
      %dma_start3A_325 = tpu.memref_squeeze %dma_start3A_324 : memref<1x80x64xf32, #tpu.memory_space<vmem>> -> memref<80x64xf32, #tpu.memory_space<vmem>>
      %dma_start3A_326 = arith.constant 0 : i32
      %dma_start3A_327 = tpu.memref_slice %arg8[%add3A_305, %dma_start3A_326] : memref<250x80xi32, #tpu.memory_space<vmem>> -> memref<1x80xi32, #tpu.memory_space<vmem>>
      %dma_start3A_328 = tpu.memref_squeeze %dma_start3A_327 : memref<1x80xi32, #tpu.memory_space<vmem>> -> memref<80xi32, #tpu.memory_space<vmem>>
      %dma_start3A_329 = arith.constant 0 : i32
      %dma_start3A_330 = arith.constant 0 : i32
      %dma_start3A_331 = tpu.memref_slice %arg10[%dma_start3A_329, %dma_start3A_330] : memref<10240x64xf32, #tpu.memory_space<vmem_shared>> -> memref<10240x64xf32, #tpu.memory_space<vmem_shared>>
      tpu.enqueue_indirect_dma source(%dma_start3A_325 : memref<80x64xf32, #tpu.memory_space<vmem>>) target(%dma_start3A_331 : memref<10240x64xf32, #tpu.memory_space<vmem_shared>>) offsets(%dma_start3A_328 : memref<80xi32, #tpu.memory_space<vmem>>) semaphore(%arg12 : memref<!tpu.dma_semaphore, #tpu.memory_space<semaphore_mem>>) {add = true}
      %add3A_332 = arith.constant 5 : i32
      %add3A_333 = arith.addi %add3A_305, %add3A_332 : i32
      %sub3A_334 = arith.constant 1 : i32
      %sub3A_335 = arith.subi %add3A_333, %sub3A_334 : i32
      %ge3A_336 = arith.constant 1 : i32
      %ge3A_337 = arith.cmpi sge, %add3A_305, %ge3A_336 : i32
      %lt3A_338 = arith.constant 250 : i32
      %lt3A_339 = arith.cmpi slt, %sub3A_335, %lt3A_338 : i32
      %and3A_340 = arith.andi %ge3A_337, %lt3A_339 : i1
      %convert_element_type3A_341 = arith.extui %and3A_340 : i1 to i32
      %cond3A_342 = arith.constant 0 : i32
      %cond3A_343 = arith.cmpi ne, %convert_element_type3A_341, %cond3A_342 : i32
      scf.if %cond3A_343 {
        %dma_wait3A_396 = arith.constant 2 : i32
        %dma_wait3A_397 = arith.constant 0 : i32
        %dma_wait3A_398 = arith.constant 0 : i32
        %dma_wait3A_399 = tpu.memref_slice %arg9[%dma_wait3A_396, %dma_wait3A_397, %dma_wait3A_398] : memref<5x80x64xf32, #tpu.memory_space<vmem>> -> memref<1x80x64xf32, #tpu.memory_space<vmem>>
        %dma_wait3A_400 = tpu.memref_squeeze %dma_wait3A_399 : memref<1x80x64xf32, #tpu.memory_space<vmem>> -> memref<80x64xf32, #tpu.memory_space<vmem>>
        %dma_wait3A_401 = arith.constant 0 : i32
        %dma_wait3A_402 = arith.constant 0 : i32
        %dma_wait3A_403 = tpu.memref_slice %arg2[%dma_wait3A_401, %dma_wait3A_402] : memref<20000x64xf32, #tpu.memory_space<hbm>> -> memref<80x64xf32, #tpu.memory_space<hbm>>
        %dma_wait3A_404 = arith.constant 0 : i32
        %dma_wait3A_405 = arith.constant 0 : i32
        %dma_wait3A_406 = tpu.memref_slice %arg9[%dma_wait3A_396, %dma_wait3A_404, %dma_wait3A_405] : memref<5x80x64xf32, #tpu.memory_space<vmem>> -> memref<1x80x64xf32, #tpu.memory_space<vmem>>
        %dma_wait3A_407 = tpu.memref_squeeze %dma_wait3A_406 : memref<1x80x64xf32, #tpu.memory_space<vmem>> -> memref<80x64xf32, #tpu.memory_space<vmem>>
        %dma_wait3A_408 = arith.constant 0 : i32
        %dma_wait3A_409 = arith.constant 0 : i32
        %dma_wait3A_410 = tpu.memref_slice %arg2[%dma_wait3A_408, %dma_wait3A_409] : memref<20000x64xf32, #tpu.memory_space<hbm>> -> memref<80x64xf32, #tpu.memory_space<hbm>>
        tpu.wait_dma2 semaphore(%arg12 : memref<!tpu.dma_semaphore, #tpu.memory_space<semaphore_mem>>) src(%dma_wait3A_410 : memref<80x64xf32, #tpu.memory_space<hbm>>) dst(%dma_wait3A_407 : memref<80x64xf32, #tpu.memory_space<vmem>>)
      } else {
      }
      %lt3A_344 = arith.constant 250 : i32
      %lt3A_345 = arith.cmpi slt, %sub3A_335, %lt3A_344 : i32
      %convert_element_type3A_346 = arith.extui %lt3A_345 : i1 to i32
      %cond3A_347 = arith.constant 0 : i32
      %cond3A_348 = arith.cmpi ne, %convert_element_type3A_346, %cond3A_347 : i32
      scf.if %cond3A_348 {
        %dma_start3A_396 = arith.constant 2 : i32
        %dma_start3A_397 = arith.constant 0 : i32
        %dma_start3A_398 = arith.constant 0 : i32
        %dma_start3A_399 = tpu.memref_slice %arg9[%dma_start3A_396, %dma_start3A_397, %dma_start3A_398] : memref<5x80x64xf32, #tpu.memory_space<vmem>> -> memref<1x80x64xf32, #tpu.memory_space<vmem>>
        %dma_start3A_400 = tpu.memref_squeeze %dma_start3A_399 : memref<1x80x64xf32, #tpu.memory_space<vmem>> -> memref<80x64xf32, #tpu.memory_space<vmem>>
        %dma_start3A_401 = arith.constant 0 : i32
        %dma_start3A_402 = tpu.memref_slice %arg7[%sub3A_335, %dma_start3A_401] : memref<250x80xi32, #tpu.memory_space<vmem>> -> memref<1x80xi32, #tpu.memory_space<vmem>>
        %dma_start3A_403 = tpu.memref_squeeze %dma_start3A_402 : memref<1x80xi32, #tpu.memory_space<vmem>> -> memref<80xi32, #tpu.memory_space<vmem>>
        %dma_start3A_404 = arith.constant 0 : i32
        %dma_start3A_405 = arith.constant 0 : i32
        %dma_start3A_406 = tpu.memref_slice %arg2[%dma_start3A_404, %dma_start3A_405] : memref<20000x64xf32, #tpu.memory_space<hbm>> -> memref<20000x64xf32, #tpu.memory_space<hbm>>
        tpu.enqueue_indirect_dma source(%dma_start3A_406 : memref<20000x64xf32, #tpu.memory_space<hbm>>) target(%dma_start3A_400 : memref<80x64xf32, #tpu.memory_space<vmem>>) offsets(%dma_start3A_403 : memref<80xi32, #tpu.memory_space<vmem>>) semaphore(%arg11 : memref<!tpu.dma_semaphore, #tpu.memory_space<semaphore_mem>>)
      } else {
      }
      %mul3A_349 = arith.constant 5 : i32
      %mul3A_350 = arith.muli %mul3A_349, %scan3A_166 : i32
      %add3A_351 = arith.constant 4 : i32
      %add3A_352 = arith.addi %mul3A_350, %add3A_351 : i32
      %dma_wait3A_353 = arith.constant 4 : i32
      %dma_wait3A_354 = arith.constant 0 : i32
      %dma_wait3A_355 = arith.constant 0 : i32
      %dma_wait3A_356 = tpu.memref_slice %arg9[%dma_wait3A_353, %dma_wait3A_354, %dma_wait3A_355] : memref<5x80x64xf32, #tpu.memory_space<vmem>> -> memref<1x80x64xf32, #tpu.memory_space<vmem>>
      %dma_wait3A_357 = tpu.memref_squeeze %dma_wait3A_356 : memref<1x80x64xf32, #tpu.memory_space<vmem>> -> memref<80x64xf32, #tpu.memory_space<vmem>>
      %dma_wait3A_358 = arith.constant 0 : i32
      %dma_wait3A_359 = arith.constant 0 : i32
      %dma_wait3A_360 = tpu.memref_slice %arg2[%dma_wait3A_358, %dma_wait3A_359] : memref<20000x64xf32, #tpu.memory_space<hbm>> -> memref<80x64xf32, #tpu.memory_space<hbm>>
      %dma_wait3A_361 = arith.constant 0 : i32
      %dma_wait3A_362 = arith.constant 0 : i32
      %dma_wait3A_363 = tpu.memref_slice %arg9[%dma_wait3A_353, %dma_wait3A_361, %dma_wait3A_362] : memref<5x80x64xf32, #tpu.memory_space<vmem>> -> memref<1x80x64xf32, #tpu.memory_space<vmem>>
      %dma_wait3A_364 = tpu.memref_squeeze %dma_wait3A_363 : memref<1x80x64xf32, #tpu.memory_space<vmem>> -> memref<80x64xf32, #tpu.memory_space<vmem>>
      %dma_wait3A_365 = arith.constant 0 : i32
      %dma_wait3A_366 = arith.constant 0 : i32
      %dma_wait3A_367 = tpu.memref_slice %arg2[%dma_wait3A_365, %dma_wait3A_366] : memref<20000x64xf32, #tpu.memory_space<hbm>> -> memref<80x64xf32, #tpu.memory_space<hbm>>
      tpu.wait_dma2 semaphore(%arg11 : memref<!tpu.dma_semaphore, #tpu.memory_space<semaphore_mem>>) src(%dma_wait3A_367 : memref<80x64xf32, #tpu.memory_space<hbm>>) dst(%dma_wait3A_364 : memref<80x64xf32, #tpu.memory_space<vmem>>)
      %dma_start3A_368 = arith.constant 4 : i32
      %dma_start3A_369 = arith.constant 0 : i32
      %dma_start3A_370 = arith.constant 0 : i32
      %dma_start3A_371 = tpu.memref_slice %arg9[%dma_start3A_368, %dma_start3A_369, %dma_start3A_370] : memref<5x80x64xf32, #tpu.memory_space<vmem>> -> memref<1x80x64xf32, #tpu.memory_space<vmem>>
      %dma_start3A_372 = tpu.memref_squeeze %dma_start3A_371 : memref<1x80x64xf32, #tpu.memory_space<vmem>> -> memref<80x64xf32, #tpu.memory_space<vmem>>
      %dma_start3A_373 = arith.constant 0 : i32
      %dma_start3A_374 = tpu.memref_slice %arg8[%add3A_352, %dma_start3A_373] : memref<250x80xi32, #tpu.memory_space<vmem>> -> memref<1x80xi32, #tpu.memory_space<vmem>>
      %dma_start3A_375 = tpu.memref_squeeze %dma_start3A_374 : memref<1x80xi32, #tpu.memory_space<vmem>> -> memref<80xi32, #tpu.memory_space<vmem>>
      %dma_start3A_376 = arith.constant 0 : i32
      %dma_start3A_377 = arith.constant 0 : i32
      %dma_start3A_378 = tpu.memref_slice %arg10[%dma_start3A_376, %dma_start3A_377] : memref<10240x64xf32, #tpu.memory_space<vmem_shared>> -> memref<10240x64xf32, #tpu.memory_space<vmem_shared>>
      tpu.enqueue_indirect_dma source(%dma_start3A_372 : memref<80x64xf32, #tpu.memory_space<vmem>>) target(%dma_start3A_378 : memref<10240x64xf32, #tpu.memory_space<vmem_shared>>) offsets(%dma_start3A_375 : memref<80xi32, #tpu.memory_space<vmem>>) semaphore(%arg12 : memref<!tpu.dma_semaphore, #tpu.memory_space<semaphore_mem>>) {add = true}
      %add3A_379 = arith.constant 5 : i32
      %add3A_380 = arith.addi %add3A_352, %add3A_379 : i32
      %sub3A_381 = arith.constant 1 : i32
      %sub3A_382 = arith.subi %add3A_380, %sub3A_381 : i32
      %ge3A_383 = arith.constant 1 : i32
      %ge3A_384 = arith.cmpi sge, %add3A_352, %ge3A_383 : i32
      %lt3A_385 = arith.constant 250 : i32
      %lt3A_386 = arith.cmpi slt, %sub3A_382, %lt3A_385 : i32
      %and3A_387 = arith.andi %ge3A_384, %lt3A_386 : i1
      %convert_element_type3A_388 = arith.extui %and3A_387 : i1 to i32
      %cond3A_389 = arith.constant 0 : i32
      %cond3A_390 = arith.cmpi ne, %convert_element_type3A_388, %cond3A_389 : i32
      scf.if %cond3A_390 {
        %dma_wait3A_396 = arith.constant 3 : i32
        %dma_wait3A_397 = arith.constant 0 : i32
        %dma_wait3A_398 = arith.constant 0 : i32
        %dma_wait3A_399 = tpu.memref_slice %arg9[%dma_wait3A_396, %dma_wait3A_397, %dma_wait3A_398] : memref<5x80x64xf32, #tpu.memory_space<vmem>> -> memref<1x80x64xf32, #tpu.memory_space<vmem>>
        %dma_wait3A_400 = tpu.memref_squeeze %dma_wait3A_399 : memref<1x80x64xf32, #tpu.memory_space<vmem>> -> memref<80x64xf32, #tpu.memory_space<vmem>>
        %dma_wait3A_401 = arith.constant 0 : i32
        %dma_wait3A_402 = arith.constant 0 : i32
        %dma_wait3A_403 = tpu.memref_slice %arg2[%dma_wait3A_401, %dma_wait3A_402] : memref<20000x64xf32, #tpu.memory_space<hbm>> -> memref<80x64xf32, #tpu.memory_space<hbm>>
        %dma_wait3A_404 = arith.constant 0 : i32
        %dma_wait3A_405 = arith.constant 0 : i32
        %dma_wait3A_406 = tpu.memref_slice %arg9[%dma_wait3A_396, %dma_wait3A_404, %dma_wait3A_405] : memref<5x80x64xf32, #tpu.memory_space<vmem>> -> memref<1x80x64xf32, #tpu.memory_space<vmem>>
        %dma_wait3A_407 = tpu.memref_squeeze %dma_wait3A_406 : memref<1x80x64xf32, #tpu.memory_space<vmem>> -> memref<80x64xf32, #tpu.memory_space<vmem>>
        %dma_wait3A_408 = arith.constant 0 : i32
        %dma_wait3A_409 = arith.constant 0 : i32
        %dma_wait3A_410 = tpu.memref_slice %arg2[%dma_wait3A_408, %dma_wait3A_409] : memref<20000x64xf32, #tpu.memory_space<hbm>> -> memref<80x64xf32, #tpu.memory_space<hbm>>
        tpu.wait_dma2 semaphore(%arg12 : memref<!tpu.dma_semaphore, #tpu.memory_space<semaphore_mem>>) src(%dma_wait3A_410 : memref<80x64xf32, #tpu.memory_space<hbm>>) dst(%dma_wait3A_407 : memref<80x64xf32, #tpu.memory_space<vmem>>)
      } else {
      }
      %lt3A_391 = arith.constant 250 : i32
      %lt3A_392 = arith.cmpi slt, %sub3A_382, %lt3A_391 : i32
      %convert_element_type3A_393 = arith.extui %lt3A_392 : i1 to i32
      %cond3A_394 = arith.constant 0 : i32
      %cond3A_395 = arith.cmpi ne, %convert_element_type3A_393, %cond3A_394 : i32
      scf.if %cond3A_395 {
        %dma_start3A_396 = arith.constant 3 : i32
        %dma_start3A_397 = arith.constant 0 : i32
        %dma_start3A_398 = arith.constant 0 : i32
        %dma_start3A_399 = tpu.memref_slice %arg9[%dma_start3A_396, %dma_start3A_397, %dma_start3A_398] : memref<5x80x64xf32, #tpu.memory_space<vmem>> -> memref<1x80x64xf32, #tpu.memory_space<vmem>>
        %dma_start3A_400 = tpu.memref_squeeze %dma_start3A_399 : memref<1x80x64xf32, #tpu.memory_space<vmem>> -> memref<80x64xf32, #tpu.memory_space<vmem>>
        %dma_start3A_401 = arith.constant 0 : i32
        %dma_start3A_402 = tpu.memref_slice %arg7[%sub3A_382, %dma_start3A_401] : memref<250x80xi32, #tpu.memory_space<vmem>> -> memref<1x80xi32, #tpu.memory_space<vmem>>
        %dma_start3A_403 = tpu.memref_squeeze %dma_start3A_402 : memref<1x80xi32, #tpu.memory_space<vmem>> -> memref<80xi32, #tpu.memory_space<vmem>>
        %dma_start3A_404 = arith.constant 0 : i32
        %dma_start3A_405 = arith.constant 0 : i32
        %dma_start3A_406 = tpu.memref_slice %arg2[%dma_start3A_404, %dma_start3A_405] : memref<20000x64xf32, #tpu.memory_space<hbm>> -> memref<20000x64xf32, #tpu.memory_space<hbm>>
        tpu.enqueue_indirect_dma source(%dma_start3A_406 : memref<20000x64xf32, #tpu.memory_space<hbm>>) target(%dma_start3A_400 : memref<80x64xf32, #tpu.memory_space<vmem>>) offsets(%dma_start3A_403 : memref<80xi32, #tpu.memory_space<vmem>>) semaphore(%arg11 : memref<!tpu.dma_semaphore, #tpu.memory_space<semaphore_mem>>)
      } else {
      }
    }
    %scan3A_85 = arith.constant 50 : i32
    %dma_wait3A_86 = arith.constant 0 : i32
    %dma_wait3A_87 = arith.constant 0 : i32
    %dma_wait3A_88 = arith.constant 0 : i32
    %dma_wait3A_89 = tpu.memref_slice %arg9[%dma_wait3A_86, %dma_wait3A_87, %dma_wait3A_88] : memref<5x80x64xf32, #tpu.memory_space<vmem>> -> memref<1x80x64xf32, #tpu.memory_space<vmem>>
    %dma_wait3A_90 = tpu.memref_squeeze %dma_wait3A_89 : memref<1x80x64xf32, #tpu.memory_space<vmem>> -> memref<80x64xf32, #tpu.memory_space<vmem>>
    %dma_wait3A_91 = arith.constant 0 : i32
    %dma_wait3A_92 = arith.constant 0 : i32
    %dma_wait3A_93 = tpu.memref_slice %arg2[%dma_wait3A_91, %dma_wait3A_92] : memref<20000x64xf32, #tpu.memory_space<hbm>> -> memref<80x64xf32, #tpu.memory_space<hbm>>
    %dma_wait3A_94 = arith.constant 0 : i32
    %dma_wait3A_95 = arith.constant 0 : i32
    %dma_wait3A_96 = tpu.memref_slice %arg9[%dma_wait3A_86, %dma_wait3A_94, %dma_wait3A_95] : memref<5x80x64xf32, #tpu.memory_space<vmem>> -> memref<1x80x64xf32, #tpu.memory_space<vmem>>
    %dma_wait3A_97 = tpu.memref_squeeze %dma_wait3A_96 : memref<1x80x64xf32, #tpu.memory_space<vmem>> -> memref<80x64xf32, #tpu.memory_space<vmem>>
    %dma_wait3A_98 = arith.constant 0 : i32
    %dma_wait3A_99 = arith.constant 0 : i32
    %dma_wait3A_100 = tpu.memref_slice %arg2[%dma_wait3A_98, %dma_wait3A_99] : memref<20000x64xf32, #tpu.memory_space<hbm>> -> memref<80x64xf32, #tpu.memory_space<hbm>>
    tpu.wait_dma2 semaphore(%arg12 : memref<!tpu.dma_semaphore, #tpu.memory_space<semaphore_mem>>) src(%dma_wait3A_100 : memref<80x64xf32, #tpu.memory_space<hbm>>) dst(%dma_wait3A_97 : memref<80x64xf32, #tpu.memory_space<vmem>>)
    %dma_wait3A_101 = arith.constant 0 : i32
    %dma_wait3A_102 = arith.constant 0 : i32
    %dma_wait3A_103 = arith.constant 0 : i32
    %dma_wait3A_104 = tpu.memref_slice %arg9[%dma_wait3A_101, %dma_wait3A_102, %dma_wait3A_103] : memref<5x80x64xf32, #tpu.memory_space<vmem>> -> memref<1x80x64xf32, #tpu.memory_space<vmem>>
    %dma_wait3A_105 = tpu.memref_squeeze %dma_wait3A_104 : memref<1x80x64xf32, #tpu.memory_space<vmem>> -> memref<80x64xf32, #tpu.memory_space<vmem>>
    %dma_wait3A_106 = arith.constant 0 : i32
    %dma_wait3A_107 = arith.constant 0 : i32
    %dma_wait3A_108 = tpu.memref_slice %arg2[%dma_wait3A_106, %dma_wait3A_107] : memref<20000x64xf32, #tpu.memory_space<hbm>> -> memref<80x64xf32, #tpu.memory_space<hbm>>
    %dma_wait3A_109 = arith.constant 0 : i32
    %dma_wait3A_110 = arith.constant 0 : i32
    %dma_wait3A_111 = tpu.memref_slice %arg9[%dma_wait3A_101, %dma_wait3A_109, %dma_wait3A_110] : memref<5x80x64xf32, #tpu.memory_space<vmem>> -> memref<1x80x64xf32, #tpu.memory_space<vmem>>
    %dma_wait3A_112 = tpu.memref_squeeze %dma_wait3A_111 : memref<1x80x64xf32, #tpu.memory_space<vmem>> -> memref<80x64xf32, #tpu.memory_space<vmem>>
    %dma_wait3A_113 = arith.constant 0 : i32
    %dma_wait3A_114 = arith.constant 0 : i32
    %dma_wait3A_115 = tpu.memref_slice %arg2[%dma_wait3A_113, %dma_wait3A_114] : memref<20000x64xf32, #tpu.memory_space<hbm>> -> memref<80x64xf32, #tpu.memory_space<hbm>>
    tpu.wait_dma2 semaphore(%arg12 : memref<!tpu.dma_semaphore, #tpu.memory_space<semaphore_mem>>) src(%dma_wait3A_115 : memref<80x64xf32, #tpu.memory_space<hbm>>) dst(%dma_wait3A_112 : memref<80x64xf32, #tpu.memory_space<vmem>>)
    %dma_wait3A_116 = arith.constant 0 : i32
    %dma_wait3A_117 = arith.constant 0 : i32
    %dma_wait3A_118 = arith.constant 0 : i32
    %dma_wait3A_119 = tpu.memref_slice %arg9[%dma_wait3A_116, %dma_wait3A_117, %dma_wait3A_118] : memref<5x80x64xf32, #tpu.memory_space<vmem>> -> memref<1x80x64xf32, #tpu.memory_space<vmem>>
    %dma_wait3A_120 = tpu.memref_squeeze %dma_wait3A_119 : memref<1x80x64xf32, #tpu.memory_space<vmem>> -> memref<80x64xf32, #tpu.memory_space<vmem>>
    %dma_wait3A_121 = arith.constant 0 : i32
    %dma_wait3A_122 = arith.constant 0 : i32
    %dma_wait3A_123 = tpu.memref_slice %arg2[%dma_wait3A_121, %dma_wait3A_122] : memref<20000x64xf32, #tpu.memory_space<hbm>> -> memref<80x64xf32, #tpu.memory_space<hbm>>
    %dma_wait3A_124 = arith.constant 0 : i32
    %dma_wait3A_125 = arith.constant 0 : i32
    %dma_wait3A_126 = tpu.memref_slice %arg9[%dma_wait3A_116, %dma_wait3A_124, %dma_wait3A_125] : memref<5x80x64xf32, #tpu.memory_space<vmem>> -> memref<1x80x64xf32, #tpu.memory_space<vmem>>
    %dma_wait3A_127 = tpu.memref_squeeze %dma_wait3A_126 : memref<1x80x64xf32, #tpu.memory_space<vmem>> -> memref<80x64xf32, #tpu.memory_space<vmem>>
    %dma_wait3A_128 = arith.constant 0 : i32
    %dma_wait3A_129 = arith.constant 0 : i32
    %dma_wait3A_130 = tpu.memref_slice %arg2[%dma_wait3A_128, %dma_wait3A_129] : memref<20000x64xf32, #tpu.memory_space<hbm>> -> memref<80x64xf32, #tpu.memory_space<hbm>>
    tpu.wait_dma2 semaphore(%arg12 : memref<!tpu.dma_semaphore, #tpu.memory_space<semaphore_mem>>) src(%dma_wait3A_130 : memref<80x64xf32, #tpu.memory_space<hbm>>) dst(%dma_wait3A_127 : memref<80x64xf32, #tpu.memory_space<vmem>>)
    %dma_wait3A_131 = arith.constant 0 : i32
    %dma_wait3A_132 = arith.constant 0 : i32
    %dma_wait3A_133 = arith.constant 0 : i32
    %dma_wait3A_134 = tpu.memref_slice %arg9[%dma_wait3A_131, %dma_wait3A_132, %dma_wait3A_133] : memref<5x80x64xf32, #tpu.memory_space<vmem>> -> memref<1x80x64xf32, #tpu.memory_space<vmem>>
    %dma_wait3A_135 = tpu.memref_squeeze %dma_wait3A_134 : memref<1x80x64xf32, #tpu.memory_space<vmem>> -> memref<80x64xf32, #tpu.memory_space<vmem>>
    %dma_wait3A_136 = arith.constant 0 : i32
    %dma_wait3A_137 = arith.constant 0 : i32
    %dma_wait3A_138 = tpu.memref_slice %arg2[%dma_wait3A_136, %dma_wait3A_137] : memref<20000x64xf32, #tpu.memory_space<hbm>> -> memref<80x64xf32, #tpu.memory_space<hbm>>
    %dma_wait3A_139 = arith.constant 0 : i32
    %dma_wait3A_140 = arith.constant 0 : i32
    %dma_wait3A_141 = tpu.memref_slice %arg9[%dma_wait3A_131, %dma_wait3A_139, %dma_wait3A_140] : memref<5x80x64xf32, #tpu.memory_space<vmem>> -> memref<1x80x64xf32, #tpu.memory_space<vmem>>
    %dma_wait3A_142 = tpu.memref_squeeze %dma_wait3A_141 : memref<1x80x64xf32, #tpu.memory_space<vmem>> -> memref<80x64xf32, #tpu.memory_space<vmem>>
    %dma_wait3A_143 = arith.constant 0 : i32
    %dma_wait3A_144 = arith.constant 0 : i32
    %dma_wait3A_145 = tpu.memref_slice %arg2[%dma_wait3A_143, %dma_wait3A_144] : memref<20000x64xf32, #tpu.memory_space<hbm>> -> memref<80x64xf32, #tpu.memory_space<hbm>>
    tpu.wait_dma2 semaphore(%arg12 : memref<!tpu.dma_semaphore, #tpu.memory_space<semaphore_mem>>) src(%dma_wait3A_145 : memref<80x64xf32, #tpu.memory_space<hbm>>) dst(%dma_wait3A_142 : memref<80x64xf32, #tpu.memory_space<vmem>>)
    %dma_wait3A_146 = arith.constant 0 : i32
    %dma_wait3A_147 = arith.constant 0 : i32
    %dma_wait3A_148 = arith.constant 0 : i32
    %dma_wait3A_149 = tpu.memref_slice %arg9[%dma_wait3A_146, %dma_wait3A_147, %dma_wait3A_148] : memref<5x80x64xf32, #tpu.memory_space<vmem>> -> memref<1x80x64xf32, #tpu.memory_space<vmem>>
    %dma_wait3A_150 = tpu.memref_squeeze %dma_wait3A_149 : memref<1x80x64xf32, #tpu.memory_space<vmem>> -> memref<80x64xf32, #tpu.memory_space<vmem>>
    %dma_wait3A_151 = arith.constant 0 : i32
    %dma_wait3A_152 = arith.constant 0 : i32
    %dma_wait3A_153 = tpu.memref_slice %arg2[%dma_wait3A_151, %dma_wait3A_152] : memref<20000x64xf32, #tpu.memory_space<hbm>> -> memref<80x64xf32, #tpu.memory_space<hbm>>
    %dma_wait3A_154 = arith.constant 0 : i32
    %dma_wait3A_155 = arith.constant 0 : i32
    %dma_wait3A_156 = tpu.memref_slice %arg9[%dma_wait3A_146, %dma_wait3A_154, %dma_wait3A_155] : memref<5x80x64xf32, #tpu.memory_space<vmem>> -> memref<1x80x64xf32, #tpu.memory_space<vmem>>
    %dma_wait3A_157 = tpu.memref_squeeze %dma_wait3A_156 : memref<1x80x64xf32, #tpu.memory_space<vmem>> -> memref<80x64xf32, #tpu.memory_space<vmem>>
    %dma_wait3A_158 = arith.constant 0 : i32
    %dma_wait3A_159 = arith.constant 0 : i32
    %dma_wait3A_160 = tpu.memref_slice %arg2[%dma_wait3A_158, %dma_wait3A_159] : memref<20000x64xf32, #tpu.memory_space<hbm>> -> memref<80x64xf32, #tpu.memory_space<hbm>>
    tpu.wait_dma2 semaphore(%arg12 : memref<!tpu.dma_semaphore, #tpu.memory_space<semaphore_mem>>) src(%dma_wait3A_160 : memref<80x64xf32, #tpu.memory_space<hbm>>) dst(%dma_wait3A_157 : memref<80x64xf32, #tpu.memory_space<vmem>>)
    %barrier3A_161 = arith.constant 0 : index
    tpu.barrier barrier_id(%barrier3A_161)
    %mul3A_162 = arith.constant 640 : i32
    %mul3A_163 = arith.muli %arg1, %mul3A_162 : i32
    %mul3A_164 = arith.constant 640 : i32
    %mul3A_165 = arith.muli %arg1, %mul3A_164 : i32
    "tpu.region"() ({
      %run_scoped3A = tpu.sem_alloc : memref<!tpu.dma_semaphore, #tpu.memory_space<semaphore_mem>>
      %dma_start3A_166 = arith.constant 0 : i32
      %dma_start3A_167 = arith.constant 0 : i32
      %dma_start3A_168 = tpu.memref_slice %arg6[%arg0, %dma_start3A_166, %dma_start3A_167] : memref<2x10240x64xf32, #tpu.memory_space<hbm>> -> memref<1x10240x64xf32, #tpu.memory_space<hbm>>
      %dma_start3A_169 = tpu.memref_squeeze %dma_start3A_168 : memref<1x10240x64xf32, #tpu.memory_space<hbm>> -> memref<10240x64xf32, #tpu.memory_space<hbm>>
      %dma_start3A_170 = arith.constant 0 : i32
      %dma_start3A_171 = tpu.memref_slice %dma_start3A_169[%mul3A_165, %dma_start3A_170] : memref<10240x64xf32, #tpu.memory_space<hbm>> -> memref<640x64xf32, #tpu.memory_space<hbm>>
      %dma_start3A_172 = arith.constant 0 : i32
      %dma_start3A_173 = tpu.memref_slice %arg10[%mul3A_163, %dma_start3A_172] : memref<10240x64xf32, #tpu.memory_space<vmem_shared>> -> memref<640x64xf32, #tpu.memory_space<vmem_shared>>
      tpu.enqueue_dma source(%dma_start3A_173 : memref<640x64xf32, #tpu.memory_space<vmem_shared>>) target(%dma_start3A_171 : memref<640x64xf32, #tpu.memory_space<hbm>>) target_semaphore(%run_scoped3A : memref<!tpu.dma_semaphore, #tpu.memory_space<semaphore_mem>>)
      %dma_wait3A_174 = arith.constant 0 : i32
      %dma_wait3A_175 = arith.constant 0 : i32
      %dma_wait3A_176 = tpu.memref_slice %arg6[%arg0, %dma_wait3A_174, %dma_wait3A_175] : memref<2x10240x64xf32, #tpu.memory_space<hbm>> -> memref<1x10240x64xf32, #tpu.memory_space<hbm>>
      %dma_wait3A_177 = tpu.memref_squeeze %dma_wait3A_176 : memref<1x10240x64xf32, #tpu.memory_space<hbm>> -> memref<10240x64xf32, #tpu.memory_space<hbm>>
      %dma_wait3A_178 = arith.constant 0 : i32
      %dma_wait3A_179 = tpu.memref_slice %dma_wait3A_177[%mul3A_165, %dma_wait3A_178] : memref<10240x64xf32, #tpu.memory_space<hbm>> -> memref<640x64xf32, #tpu.memory_space<hbm>>
      %dma_wait3A_180 = arith.constant 0 : i32
      %dma_wait3A_181 = tpu.memref_slice %arg10[%mul3A_163, %dma_wait3A_180] : memref<10240x64xf32, #tpu.memory_space<vmem_shared>> -> memref<640x64xf32, #tpu.memory_space<vmem_shared>>
      tpu.wait_dma2 semaphore(%run_scoped3A : memref<!tpu.dma_semaphore, #tpu.memory_space<semaphore_mem>>) src(%dma_wait3A_181 : memref<640x64xf32, #tpu.memory_space<vmem_shared>>) dst(%dma_wait3A_179 : memref<640x64xf32, #tpu.memory_space<hbm>>)
      tpu.yield
    }) : () -> ()
    return
  }
}

module attributes {stable_mosaic.version = 14 : i64} {
  func.func @_mlp_body(%arg0: i32, %arg1: memref<1x2000x64xf32, #tpu.memory_space<vmem>>, %arg2: memref<1x2000x64xf32, #tpu.memory_space<vmem>>, %arg3: memref<1x2000x64xf32, #tpu.memory_space<vmem>>, %arg4: memref<1x2000x64xf32, #tpu.memory_space<vmem>>, %arg5: memref<128x128xf32, #tpu.memory_space<vmem>>, %arg6: memref<1x128xf32, #tpu.memory_space<vmem>>, %arg7: memref<128x128xf32, #tpu.memory_space<vmem>>, %arg8: memref<1x128xf32, #tpu.memory_space<vmem>>, %arg9: memref<2000x128xf32, #tpu.memory_space<vmem>>, %arg10: memref<2x128xf32, #tpu.memory_space<vmem>>) attributes {dimension_semantics = [#tpu.dimension_semantics<arbitrary>], iteration_bounds = array<i64: 5>, scalar_prefetch = 0 : i64, scratch_operands = 0 : i64, tpu.core_type = #tpu.core_type<tc>, window_params = [{transform_indices = @transform_0, window_bounds = array<i64: 1, 2000, 64>}, {transform_indices = @transform_1, window_bounds = array<i64: 1, 2000, 64>}, {transform_indices = @transform_2, window_bounds = array<i64: 1, 2000, 64>}, {transform_indices = @transform_3, window_bounds = array<i64: 1, 2000, 64>}, {pipeline_mode = #tpu.pipeline_mode<synchronous>, transform_indices = @transform_4, window_bounds = array<i64: 128, 128>}, {pipeline_mode = #tpu.pipeline_mode<synchronous>, transform_indices = @transform_5, window_bounds = array<i64: 1, 128>}, {pipeline_mode = #tpu.pipeline_mode<synchronous>, transform_indices = @transform_6, window_bounds = array<i64: 128, 128>}, {pipeline_mode = #tpu.pipeline_mode<synchronous>, transform_indices = @transform_7, window_bounds = array<i64: 1, 128>}, {transform_indices = @transform_8, window_bounds = array<i64: 2000, 128>}, {pipeline_mode = #tpu.pipeline_mode<synchronous>, transform_indices = @transform_9, window_bounds = array<i64: 2, 128>}]} {
    %get3A = arith.constant 0 : index
    %get3A_0 = arith.constant 0 : index
    %get3A_1 = arith.constant 0 : index
    %get3A_2 = vector.load %arg1[%get3A, %get3A_0, %get3A_1] : memref<1x2000x64xf32, #tpu.memory_space<vmem>>, vector<1x2000x64xf32>
    %get3A_3 = vector.shape_cast %get3A_2 : vector<1x2000x64xf32> to vector<2000x64xf32>
    %get3A_4 = arith.constant 0 : index
    %get3A_5 = arith.constant 0 : index
    %get3A_6 = arith.constant 0 : index
    %get3A_7 = vector.load %arg2[%get3A_4, %get3A_5, %get3A_6] : memref<1x2000x64xf32, #tpu.memory_space<vmem>>, vector<1x2000x64xf32>
    %get3A_8 = vector.shape_cast %get3A_7 : vector<1x2000x64xf32> to vector<2000x64xf32>
    %concatenate3A = tpu.concatenate %get3A_3, %get3A_8 in 1 : vector<2000x64xf32>, vector<2000x64xf32> -> vector<2000x128xf32>
    %get3A_9 = arith.constant 0 : index
    %get3A_10 = arith.constant 0 : index
    %get3A_11 = arith.constant 0 : index
    %get3A_12 = vector.load %arg3[%get3A_9, %get3A_10, %get3A_11] : memref<1x2000x64xf32, #tpu.memory_space<vmem>>, vector<1x2000x64xf32>
    %get3A_13 = vector.shape_cast %get3A_12 : vector<1x2000x64xf32> to vector<2000x64xf32>
    %get3A_14 = arith.constant 0 : index
    %get3A_15 = arith.constant 0 : index
    %get3A_16 = arith.constant 0 : index
    %get3A_17 = vector.load %arg4[%get3A_14, %get3A_15, %get3A_16] : memref<1x2000x64xf32, #tpu.memory_space<vmem>>, vector<1x2000x64xf32>
    %get3A_18 = vector.shape_cast %get3A_17 : vector<1x2000x64xf32> to vector<2000x64xf32>
    %concatenate3A_19 = tpu.concatenate %get3A_13, %get3A_18 in 1 : vector<2000x64xf32>, vector<2000x64xf32> -> vector<2000x128xf32>
    %add3A = arith.addf %concatenate3A, %concatenate3A_19 : vector<2000x128xf32>
    %get3A_20 = arith.constant 0 : index
    %get3A_21 = arith.constant 0 : index
    %get3A_22 = vector.load %arg5[%get3A_20, %get3A_21] : memref<128x128xf32, #tpu.memory_space<vmem>>, vector<128x128xf32>
    %dot_general3A = arith.constant dense<0.000000e+00> : vector<2000x128xf32>
    %dot_general3A_23 = tpu.matmul %add3A, %get3A_22, %dot_general3A {dimension_numbers = #tpu.dot_dimension_numbers<[1], [0], [0], [1], [0, 0, 1, 1], [], []>, transpose_lhs_hint = false} : vector<2000x128xf32>, vector<128x128xf32>, vector<2000x128xf32> -> vector<2000x128xf32>
    %get3A_24 = arith.constant 0 : index
    %get3A_25 = arith.constant 0 : index
    %get3A_26 = vector.load %arg6[%get3A_24, %get3A_25] : memref<1x128xf32, #tpu.memory_space<vmem>>, vector<1x128xf32>
    %add3A_27 = vector.broadcast %get3A_26 : vector<1x128xf32> to vector<2000x128xf32>
    %add3A_28 = arith.addf %dot_general3A_23, %add3A_27 : vector<2000x128xf32>
    %max3A = arith.constant 0.000000e+00 : f32
    %max3A_29 = vector.broadcast %max3A : f32 to vector<2000x128xf32>
    %max3A_30 = arith.maximumf %add3A_28, %max3A_29 : vector<2000x128xf32>
    %get3A_31 = arith.constant 0 : index
    %get3A_32 = arith.constant 0 : index
    %get3A_33 = vector.load %arg7[%get3A_31, %get3A_32] : memref<128x128xf32, #tpu.memory_space<vmem>>, vector<128x128xf32>
    %dot_general3A_34 = arith.constant dense<0.000000e+00> : vector<2000x128xf32>
    %dot_general3A_35 = tpu.matmul %max3A_30, %get3A_33, %dot_general3A_34 {dimension_numbers = #tpu.dot_dimension_numbers<[1], [0], [0], [1], [0, 0, 1, 1], [], []>, transpose_lhs_hint = false} : vector<2000x128xf32>, vector<128x128xf32>, vector<2000x128xf32> -> vector<2000x128xf32>
    %get3A_36 = arith.constant 0 : index
    %get3A_37 = arith.constant 0 : index
    %get3A_38 = vector.load %arg8[%get3A_36, %get3A_37] : memref<1x128xf32, #tpu.memory_space<vmem>>, vector<1x128xf32>
    %add3A_39 = vector.broadcast %get3A_38 : vector<1x128xf32> to vector<2000x128xf32>
    %add3A_40 = arith.addf %dot_general3A_35, %add3A_39 : vector<2000x128xf32>
    %max3A_41 = arith.constant 0.000000e+00 : f32
    %max3A_42 = vector.broadcast %max3A_41 : f32 to vector<2000x128xf32>
    %max3A_43 = arith.maximumf %add3A_40, %max3A_42 : vector<2000x128xf32>
    %swap3A = arith.constant 0 : index
    %swap3A_44 = arith.constant 0 : index
    %swap3A_45 = vector.load %arg9[%swap3A, %swap3A_44] : memref<2000x128xf32, #tpu.memory_space<vmem>>, vector<2000x128xf32>
    tpu.vector_store %arg9[%swap3A, %swap3A_44], %max3A_43 {strides = array<i32>} : memref<2000x128xf32, #tpu.memory_space<vmem>>, vector<2000x128xf32>,
    %reduce_sum3A = arith.constant dense<0.000000e+00> : vector<128xf32>
    %reduce_sum3A_46 = vector.multi_reduction <add>, %max3A_43, %reduce_sum3A [0] : vector<2000x128xf32> to vector<128xf32>
    %broadcast_in_dim3A = vector.shape_cast %reduce_sum3A_46 : vector<128xf32> to vector<1x128xf32>
    %mul3A = arith.mulf %max3A_43, %max3A_43 : vector<2000x128xf32>
    %reduce_sum3A_47 = arith.constant dense<0.000000e+00> : vector<128xf32>
    %reduce_sum3A_48 = vector.multi_reduction <add>, %mul3A, %reduce_sum3A_47 [0] : vector<2000x128xf32> to vector<128xf32>
    %broadcast_in_dim3A_49 = vector.shape_cast %reduce_sum3A_48 : vector<128xf32> to vector<1x128xf32>
    %concatenate3A_50 = tpu.concatenate %broadcast_in_dim3A, %broadcast_in_dim3A_49 in 0 : vector<1x128xf32>, vector<1x128xf32> -> vector<2x128xf32>
    %eq3A = arith.constant 0 : i32
    %eq3A_51 = arith.cmpi eq, %arg0, %eq3A : i32
    %convert_element_type3A = arith.extui %eq3A_51 : i1 to i32
    %cond3A = arith.constant 0 : i32
    %cond3A_52 = arith.cmpi ne, %convert_element_type3A, %cond3A : i32
    scf.if %cond3A_52 {
      %swap3A_57 = arith.constant 0 : index
      %swap3A_58 = arith.constant 0 : index
      %swap3A_59 = vector.load %arg10[%swap3A_57, %swap3A_58] : memref<2x128xf32, #tpu.memory_space<vmem>>, vector<2x128xf32>
      tpu.vector_store %arg10[%swap3A_57, %swap3A_58], %concatenate3A_50 {strides = array<i32>} : memref<2x128xf32, #tpu.memory_space<vmem>>, vector<2x128xf32>,
    } else {
    }
    %gt3A = arith.constant 0 : i32
    %gt3A_53 = arith.cmpi sgt, %arg0, %gt3A : i32
    %convert_element_type3A_54 = arith.extui %gt3A_53 : i1 to i32
    %cond3A_55 = arith.constant 0 : i32
    %cond3A_56 = arith.cmpi ne, %convert_element_type3A_54, %cond3A_55 : i32
    scf.if %cond3A_56 {
      %get3A_57 = arith.constant 0 : index
      %get3A_58 = arith.constant 0 : index
      %get3A_59 = vector.load %arg10[%get3A_57, %get3A_58] : memref<2x128xf32, #tpu.memory_space<vmem>>, vector<2x128xf32>
      %add3A_60 = arith.addf %get3A_59, %concatenate3A_50 : vector<2x128xf32>
      %swap3A_61 = arith.constant 0 : index
      %swap3A_62 = arith.constant 0 : index
      %swap3A_63 = vector.load %arg10[%swap3A_61, %swap3A_62] : memref<2x128xf32, #tpu.memory_space<vmem>>, vector<2x128xf32>
      tpu.vector_store %arg10[%swap3A_61, %swap3A_62], %add3A_60 {strides = array<i32>} : memref<2x128xf32, #tpu.memory_space<vmem>>, vector<2x128xf32>,
    } else {
    }
    return
  }
  func.func @transform_0(%arg0: i32) -> (i32, i32, i32) {
    %c0_i32 = arith.constant 0 : i32
    %c0_i32_0 = arith.constant 0 : i32
    %c0_i32_1 = arith.constant 0 : i32
    return %c0_i32, %arg0, %c0_i32_0 : i32, i32, i32
  }
  func.func @transform_1(%arg0: i32) -> (i32, i32, i32) {
    %c1_i32 = arith.constant 1 : i32
    %c0_i32 = arith.constant 0 : i32
    %c0_i32_0 = arith.constant 0 : i32
    return %c1_i32, %arg0, %c0_i32 : i32, i32, i32
  }
  func.func @transform_2(%arg0: i32) -> (i32, i32, i32) {
    %c0_i32 = arith.constant 0 : i32
    %c0_i32_0 = arith.constant 0 : i32
    %c0_i32_1 = arith.constant 0 : i32
    return %c0_i32, %arg0, %c0_i32_0 : i32, i32, i32
  }
  func.func @transform_3(%arg0: i32) -> (i32, i32, i32) {
    %c1_i32 = arith.constant 1 : i32
    %c0_i32 = arith.constant 0 : i32
    %c0_i32_0 = arith.constant 0 : i32
    return %c1_i32, %arg0, %c0_i32 : i32, i32, i32
  }
  func.func @transform_4(%arg0: i32) -> (i32, i32) {
    %c0_i32 = arith.constant 0 : i32
    %c0_i32_0 = arith.constant 0 : i32
    %c0_i32_1 = arith.constant 0 : i32
    return %c0_i32, %c0_i32_0 : i32, i32
  }
  func.func @transform_5(%arg0: i32) -> (i32, i32) {
    %c0_i32 = arith.constant 0 : i32
    %c0_i32_0 = arith.constant 0 : i32
    %c0_i32_1 = arith.constant 0 : i32
    return %c0_i32, %c0_i32_0 : i32, i32
  }
  func.func @transform_6(%arg0: i32) -> (i32, i32) {
    %c0_i32 = arith.constant 0 : i32
    %c0_i32_0 = arith.constant 0 : i32
    %c0_i32_1 = arith.constant 0 : i32
    return %c0_i32, %c0_i32_0 : i32, i32
  }
  func.func @transform_7(%arg0: i32) -> (i32, i32) {
    %c0_i32 = arith.constant 0 : i32
    %c0_i32_0 = arith.constant 0 : i32
    %c0_i32_1 = arith.constant 0 : i32
    return %c0_i32, %c0_i32_0 : i32, i32
  }
  func.func @transform_8(%arg0: i32) -> (i32, i32) {
    %c0_i32 = arith.constant 0 : i32
    %c0_i32_0 = arith.constant 0 : i32
    return %arg0, %c0_i32 : i32, i32
  }
  func.func @transform_9(%arg0: i32) -> (i32, i32) {
    %c0_i32 = arith.constant 0 : i32
    %c0_i32_0 = arith.constant 0 : i32
    %c0_i32_1 = arith.constant 0 : i32
    return %c0_i32, %c0_i32_0 : i32, i32
  }
}

module attributes {stable_mosaic.version = 14 : i64} {
  func.func @_norm_body(%arg0: i32, %arg1: memref<2000x128xf32, #tpu.memory_space<vmem>>, %arg2: memref<2x128xf32, #tpu.memory_space<vmem>>, %arg3: memref<1x128xf32, #tpu.memory_space<vmem>>, %arg4: memref<1x128xf32, #tpu.memory_space<vmem>>, %arg5: memref<2x2000x64xf32, #tpu.memory_space<vmem>>) attributes {dimension_semantics = [#tpu.dimension_semantics<arbitrary>], iteration_bounds = array<i64: 5>, scalar_prefetch = 0 : i64, scratch_operands = 0 : i64, tpu.core_type = #tpu.core_type<tc>, window_params = [{transform_indices = @transform_0, window_bounds = array<i64: 2000, 128>}, {pipeline_mode = #tpu.pipeline_mode<synchronous>, transform_indices = @transform_1, window_bounds = array<i64: 2, 128>}, {pipeline_mode = #tpu.pipeline_mode<synchronous>, transform_indices = @transform_2, window_bounds = array<i64: 1, 128>}, {pipeline_mode = #tpu.pipeline_mode<synchronous>, transform_indices = @transform_3, window_bounds = array<i64: 1, 128>}, {transform_indices = @transform_4, window_bounds = array<i64: 2, 2000, 64>}]} {
    %get3A = arith.constant 0 : index
    %get3A_0 = arith.constant 0 : index
    %get3A_1 = vector.load %arg2[%get3A, %get3A_0] : memref<2x128xf32, #tpu.memory_space<vmem>>, vector<1x128xf32>
    %div3A = arith.constant 1.000000e+04 : f32
    %div3A_2 = vector.broadcast %div3A : f32 to vector<1x128xf32>
    %div3A_3 = arith.divf %get3A_1, %div3A_2 : vector<1x128xf32>
    %get3A_4 = arith.constant 1 : index
    %get3A_5 = arith.constant 0 : index
    %get3A_6 = vector.load %arg2[%get3A_4, %get3A_5] : memref<2x128xf32, #tpu.memory_space<vmem>>, vector<1x128xf32>
    %div3A_7 = arith.constant 1.000000e+04 : f32
    %div3A_8 = vector.broadcast %div3A_7 : f32 to vector<1x128xf32>
    %div3A_9 = arith.divf %get3A_6, %div3A_8 : vector<1x128xf32>
    %mul3A = arith.mulf %div3A_3, %div3A_3 : vector<1x128xf32>
    %sub3A = arith.subf %div3A_9, %mul3A : vector<1x128xf32>
    %add3A = arith.constant 9.99999974E-6 : f32
    %add3A_10 = vector.broadcast %add3A : f32 to vector<1x128xf32>
    %add3A_11 = arith.addf %sub3A, %add3A_10 : vector<1x128xf32>
    %rsqrt3A = math.rsqrt %add3A_11 : vector<1x128xf32>
    %get3A_12 = arith.constant 0 : index
    %get3A_13 = arith.constant 0 : index
    %get3A_14 = vector.load %arg3[%get3A_12, %get3A_13] : memref<1x128xf32, #tpu.memory_space<vmem>>, vector<1x128xf32>
    %get3A_15 = arith.constant 0 : index
    %get3A_16 = arith.constant 0 : index
    %get3A_17 = vector.load %arg1[%get3A_15, %get3A_16] : memref<2000x128xf32, #tpu.memory_space<vmem>>, vector<2000x128xf32>
    %sub3A_18 = vector.broadcast %div3A_3 : vector<1x128xf32> to vector<2000x128xf32>
    %sub3A_19 = arith.subf %get3A_17, %sub3A_18 : vector<2000x128xf32>
    %mul3A_20 = vector.broadcast %get3A_14 : vector<1x128xf32> to vector<2000x128xf32>
    %mul3A_21 = arith.mulf %mul3A_20, %sub3A_19 : vector<2000x128xf32>
    %mul3A_22 = vector.broadcast %rsqrt3A : vector<1x128xf32> to vector<2000x128xf32>
    %mul3A_23 = arith.mulf %mul3A_21, %mul3A_22 : vector<2000x128xf32>
    %get3A_24 = arith.constant 0 : index
    %get3A_25 = arith.constant 0 : index
    %get3A_26 = vector.load %arg4[%get3A_24, %get3A_25] : memref<1x128xf32, #tpu.memory_space<vmem>>, vector<1x128xf32>
    %add3A_27 = vector.broadcast %get3A_26 : vector<1x128xf32> to vector<2000x128xf32>
    %add3A_28 = arith.addf %mul3A_23, %add3A_27 : vector<2000x128xf32>
    %slice3A = vector.extract_strided_slice %add3A_28 {offsets = [0, 0], sizes = [2000, 64], strides = [1, 1]} : vector<2000x128xf32> to vector<2000x64xf32>
    %slice3A_29 = vector.extract_strided_slice %add3A_28 {offsets = [0, 64], sizes = [2000, 64], strides = [1, 1]} : vector<2000x128xf32> to vector<2000x64xf32>
    %stack3A = vector.shape_cast %slice3A : vector<2000x64xf32> to vector<1x2000x64xf32>
    %stack3A_30 = vector.shape_cast %slice3A_29 : vector<2000x64xf32> to vector<1x2000x64xf32>
    %stack3A_31 = tpu.concatenate %stack3A, %stack3A_30 in 0 : vector<1x2000x64xf32>, vector<1x2000x64xf32> -> vector<2x2000x64xf32>
    %swap3A = arith.constant 0 : index
    %swap3A_32 = arith.constant 0 : index
    %swap3A_33 = arith.constant 0 : index
    %swap3A_34 = vector.load %arg5[%swap3A, %swap3A_32, %swap3A_33] : memref<2x2000x64xf32, #tpu.memory_space<vmem>>, vector<2x2000x64xf32>
    tpu.vector_store %arg5[%swap3A, %swap3A_32, %swap3A_33], %stack3A_31 {strides = array<i32>} : memref<2x2000x64xf32, #tpu.memory_space<vmem>>, vector<2x2000x64xf32>,
    return
  }
  func.func @transform_0(%arg0: i32) -> (i32, i32) {
    %c0_i32 = arith.constant 0 : i32
    %c0_i32_0 = arith.constant 0 : i32
    return %arg0, %c0_i32 : i32, i32
  }
  func.func @transform_1(%arg0: i32) -> (i32, i32) {
    %c0_i32 = arith.constant 0 : i32
    %c0_i32_0 = arith.constant 0 : i32
    %c0_i32_1 = arith.constant 0 : i32
    return %c0_i32, %c0_i32_0 : i32, i32
  }
  func.func @transform_2(%arg0: i32) -> (i32, i32) {
    %c0_i32 = arith.constant 0 : i32
    %c0_i32_0 = arith.constant 0 : i32
    %c0_i32_1 = arith.constant 0 : i32
    return %c0_i32, %c0_i32_0 : i32, i32
  }
  func.func @transform_3(%arg0: i32) -> (i32, i32) {
    %c0_i32 = arith.constant 0 : i32
    %c0_i32_0 = arith.constant 0 : i32
    %c0_i32_1 = arith.constant 0 : i32
    return %c0_i32, %c0_i32_0 : i32, i32
  }
  func.func @transform_4(%arg0: i32) -> (i32, i32, i32) {
    %c0_i32 = arith.constant 0 : i32
    %c0_i32_0 = arith.constant 0 : i32
    %c0_i32_1 = arith.constant 0 : i32
    return %c0_i32, %arg0, %c0_i32_0 : i32, i32, i32
  }
}

module attributes {stable_mosaic.version = 14 : i64} {
  func.func @_final_body(%arg0: i32, %arg1: memref<2000x128xf32, #tpu.memory_space<vmem>>, %arg2: memref<2x128xf32, #tpu.memory_space<vmem>>, %arg3: memref<1x128xf32, #tpu.memory_space<vmem>>, %arg4: memref<1x128xf32, #tpu.memory_space<vmem>>, %arg5: memref<128x128xf32, #tpu.memory_space<vmem>>, %arg6: memref<1x128xf32, #tpu.memory_space<vmem>>, %arg7: memref<128x10xf32, #tpu.memory_space<vmem>>, %arg8: memref<1x10xf32, #tpu.memory_space<vmem>>, %arg9: memref<2000x10xf32, #tpu.memory_space<vmem>>) attributes {dimension_semantics = [#tpu.dimension_semantics<arbitrary>], iteration_bounds = array<i64: 5>, scalar_prefetch = 0 : i64, scratch_operands = 0 : i64, tpu.core_type = #tpu.core_type<tc>, window_params = [{transform_indices = @transform_0, window_bounds = array<i64: 2000, 128>}, {pipeline_mode = #tpu.pipeline_mode<synchronous>, transform_indices = @transform_1, window_bounds = array<i64: 2, 128>}, {pipeline_mode = #tpu.pipeline_mode<synchronous>, transform_indices = @transform_2, window_bounds = array<i64: 1, 128>}, {pipeline_mode = #tpu.pipeline_mode<synchronous>, transform_indices = @transform_3, window_bounds = array<i64: 1, 128>}, {pipeline_mode = #tpu.pipeline_mode<synchronous>, transform_indices = @transform_4, window_bounds = array<i64: 128, 128>}, {pipeline_mode = #tpu.pipeline_mode<synchronous>, transform_indices = @transform_5, window_bounds = array<i64: 1, 128>}, {pipeline_mode = #tpu.pipeline_mode<synchronous>, transform_indices = @transform_6, window_bounds = array<i64: 128, 10>}, {pipeline_mode = #tpu.pipeline_mode<synchronous>, transform_indices = @transform_7, window_bounds = array<i64: 1, 10>}, {transform_indices = @transform_8, window_bounds = array<i64: 2000, 10>}]} {
    %get3A = arith.constant 0 : index
    %get3A_0 = arith.constant 0 : index
    %get3A_1 = vector.load %arg2[%get3A, %get3A_0] : memref<2x128xf32, #tpu.memory_space<vmem>>, vector<1x128xf32>
    %div3A = arith.constant 1.000000e+04 : f32
    %div3A_2 = vector.broadcast %div3A : f32 to vector<1x128xf32>
    %div3A_3 = arith.divf %get3A_1, %div3A_2 : vector<1x128xf32>
    %get3A_4 = arith.constant 1 : index
    %get3A_5 = arith.constant 0 : index
    %get3A_6 = vector.load %arg2[%get3A_4, %get3A_5] : memref<2x128xf32, #tpu.memory_space<vmem>>, vector<1x128xf32>
    %div3A_7 = arith.constant 1.000000e+04 : f32
    %div3A_8 = vector.broadcast %div3A_7 : f32 to vector<1x128xf32>
    %div3A_9 = arith.divf %get3A_6, %div3A_8 : vector<1x128xf32>
    %mul3A = arith.mulf %div3A_3, %div3A_3 : vector<1x128xf32>
    %sub3A = arith.subf %div3A_9, %mul3A : vector<1x128xf32>
    %get3A_10 = arith.constant 0 : index
    %get3A_11 = arith.constant 0 : index
    %get3A_12 = vector.load %arg3[%get3A_10, %get3A_11] : memref<1x128xf32, #tpu.memory_space<vmem>>, vector<1x128xf32>
    %get3A_13 = arith.constant 0 : index
    %get3A_14 = arith.constant 0 : index
    %get3A_15 = vector.load %arg1[%get3A_13, %get3A_14] : memref<2000x128xf32, #tpu.memory_space<vmem>>, vector<2000x128xf32>
    %sub3A_16 = vector.broadcast %div3A_3 : vector<1x128xf32> to vector<2000x128xf32>
    %sub3A_17 = arith.subf %get3A_15, %sub3A_16 : vector<2000x128xf32>
    %mul3A_18 = vector.broadcast %get3A_12 : vector<1x128xf32> to vector<2000x128xf32>
    %mul3A_19 = arith.mulf %mul3A_18, %sub3A_17 : vector<2000x128xf32>
    %add3A = arith.constant 9.99999974E-6 : f32
    %add3A_20 = vector.broadcast %add3A : f32 to vector<1x128xf32>
    %add3A_21 = arith.addf %sub3A, %add3A_20 : vector<1x128xf32>
    %rsqrt3A = math.rsqrt %add3A_21 : vector<1x128xf32>
    %mul3A_22 = vector.broadcast %rsqrt3A : vector<1x128xf32> to vector<2000x128xf32>
    %mul3A_23 = arith.mulf %mul3A_19, %mul3A_22 : vector<2000x128xf32>
    %get3A_24 = arith.constant 0 : index
    %get3A_25 = arith.constant 0 : index
    %get3A_26 = vector.load %arg4[%get3A_24, %get3A_25] : memref<1x128xf32, #tpu.memory_space<vmem>>, vector<1x128xf32>
    %add3A_27 = vector.broadcast %get3A_26 : vector<1x128xf32> to vector<2000x128xf32>
    %add3A_28 = arith.addf %mul3A_23, %add3A_27 : vector<2000x128xf32>
    %get3A_29 = arith.constant 0 : index
    %get3A_30 = arith.constant 0 : index
    %get3A_31 = vector.load %arg5[%get3A_29, %get3A_30] : memref<128x128xf32, #tpu.memory_space<vmem>>, vector<128x128xf32>
    %dot_general3A = arith.constant dense<0.000000e+00> : vector<2000x128xf32>
    %dot_general3A_32 = tpu.matmul %add3A_28, %get3A_31, %dot_general3A {dimension_numbers = #tpu.dot_dimension_numbers<[1], [0], [0], [1], [0, 0, 1, 1], [], []>, transpose_lhs_hint = false} : vector<2000x128xf32>, vector<128x128xf32>, vector<2000x128xf32> -> vector<2000x128xf32>
    %get3A_33 = arith.constant 0 : index
    %get3A_34 = arith.constant 0 : index
    %get3A_35 = vector.load %arg6[%get3A_33, %get3A_34] : memref<1x128xf32, #tpu.memory_space<vmem>>, vector<1x128xf32>
    %add3A_36 = vector.broadcast %get3A_35 : vector<1x128xf32> to vector<2000x128xf32>
    %add3A_37 = arith.addf %dot_general3A_32, %add3A_36 : vector<2000x128xf32>
    %max3A = arith.constant 0.000000e+00 : f32
    %max3A_38 = vector.broadcast %max3A : f32 to vector<2000x128xf32>
    %max3A_39 = arith.maximumf %add3A_37, %max3A_38 : vector<2000x128xf32>
    %get3A_40 = arith.constant 0 : index
    %get3A_41 = arith.constant 0 : index
    %get3A_42 = vector.load %arg7[%get3A_40, %get3A_41] : memref<128x10xf32, #tpu.memory_space<vmem>>, vector<128x10xf32>
    %dot_general3A_43 = arith.constant dense<0.000000e+00> : vector<2000x10xf32>
    %dot_general3A_44 = tpu.matmul %max3A_39, %get3A_42, %dot_general3A_43 {dimension_numbers = #tpu.dot_dimension_numbers<[1], [0], [0], [1], [0, 0, 1, 1], [], []>, transpose_lhs_hint = false} : vector<2000x128xf32>, vector<128x10xf32>, vector<2000x10xf32> -> vector<2000x10xf32>
    %get3A_45 = arith.constant 0 : index
    %get3A_46 = arith.constant 0 : index
    %get3A_47 = vector.load %arg8[%get3A_45, %get3A_46] : memref<1x10xf32, #tpu.memory_space<vmem>>, vector<1x10xf32>
    %add3A_48 = vector.broadcast %get3A_47 : vector<1x10xf32> to vector<2000x10xf32>
    %add3A_49 = arith.addf %dot_general3A_44, %add3A_48 : vector<2000x10xf32>
    %reduce_max3A = arith.constant dense<0xFF800000> : vector<2000xf32>
    %reduce_max3A_50 = vector.multi_reduction <maximumf>, %add3A_49, %reduce_max3A [1] : vector<2000x10xf32> to vector<2000xf32>
    %broadcast_in_dim3A = vector.shape_cast %reduce_max3A_50 : vector<2000xf32> to vector<2000x1xf32>
    %sub3A_51 = vector.broadcast %broadcast_in_dim3A : vector<2000x1xf32> to vector<2000x10xf32>
    %sub3A_52 = arith.subf %add3A_49, %sub3A_51 : vector<2000x10xf32>
    %exp3A = math.exp %sub3A_52 : vector<2000x10xf32>
    %reduce_sum3A = arith.constant dense<0.000000e+00> : vector<2000xf32>
    %reduce_sum3A_53 = vector.multi_reduction <add>, %exp3A, %reduce_sum3A [1] : vector<2000x10xf32> to vector<2000xf32>
    %broadcast_in_dim3A_54 = vector.shape_cast %reduce_sum3A_53 : vector<2000xf32> to vector<2000x1xf32>
    %log3A = math.log %broadcast_in_dim3A_54 : vector<2000x1xf32>
    %add3A_55 = arith.addf %log3A, %broadcast_in_dim3A : vector<2000x1xf32>
    %sub3A_56 = vector.broadcast %add3A_55 : vector<2000x1xf32> to vector<2000x10xf32>
    %sub3A_57 = arith.subf %add3A_49, %sub3A_56 : vector<2000x10xf32>
    %swap3A = arith.constant 0 : index
    %swap3A_58 = arith.constant 0 : index
    %swap3A_59 = vector.load %arg9[%swap3A, %swap3A_58] : memref<2000x10xf32, #tpu.memory_space<vmem>>, vector<2000x10xf32>
    tpu.vector_store %arg9[%swap3A, %swap3A_58], %sub3A_57 {strides = array<i32>} : memref<2000x10xf32, #tpu.memory_space<vmem>>, vector<2000x10xf32>,
    return
  }
  func.func @transform_0(%arg0: i32) -> (i32, i32) {
    %c0_i32 = arith.constant 0 : i32
    %c0_i32_0 = arith.constant 0 : i32
    return %arg0, %c0_i32 : i32, i32
  }
  func.func @transform_1(%arg0: i32) -> (i32, i32) {
    %c0_i32 = arith.constant 0 : i32
    %c0_i32_0 = arith.constant 0 : i32
    %c0_i32_1 = arith.constant 0 : i32
    return %c0_i32, %c0_i32_0 : i32, i32
  }
  func.func @transform_2(%arg0: i32) -> (i32, i32) {
    %c0_i32 = arith.constant 0 : i32
    %c0_i32_0 = arith.constant 0 : i32
    %c0_i32_1 = arith.constant 0 : i32
    return %c0_i32, %c0_i32_0 : i32, i32
  }
  func.func @transform_3(%arg0: i32) -> (i32, i32) {
    %c0_i32 = arith.constant 0 : i32
    %c0_i32_0 = arith.constant 0 : i32
    %c0_i32_1 = arith.constant 0 : i32
    return %c0_i32, %c0_i32_0 : i32, i32
  }
  func.func @transform_4(%arg0: i32) -> (i32, i32) {
    %c0_i32 = arith.constant 0 : i32
    %c0_i32_0 = arith.constant 0 : i32
    %c0_i32_1 = arith.constant 0 : i32
    return %c0_i32, %c0_i32_0 : i32, i32
  }
  func.func @transform_5(%arg0: i32) -> (i32, i32) {
    %c0_i32 = arith.constant 0 : i32
    %c0_i32_0 = arith.constant 0 : i32
    %c0_i32_1 = arith.constant 0 : i32
    return %c0_i32, %c0_i32_0 : i32, i32
  }
  func.func @transform_6(%arg0: i32) -> (i32, i32) {
    %c0_i32 = arith.constant 0 : i32
    %c0_i32_0 = arith.constant 0 : i32
    %c0_i32_1 = arith.constant 0 : i32
    return %c0_i32, %c0_i32_0 : i32, i32
  }
  func.func @transform_7(%arg0: i32) -> (i32, i32) {
    %c0_i32 = arith.constant 0 : i32
    %c0_i32_0 = arith.constant 0 : i32
    %c0_i32_1 = arith.constant 0 : i32
    return %c0_i32, %c0_i32_0 : i32, i32
  }
  func.func @transform_8(%arg0: i32) -> (i32, i32) {
    %c0_i32 = arith.constant 0 : i32
    %c0_i32_0 = arith.constant 0 : i32
    return %arg0, %c0_i32 : i32, i32
  }
}

</mosaic_0001>

<sc_bundles>
// kernel: kernel.11.cloned.1.call-start
scs
__scs_entry_jumppad:
0x0: {  	(pc) =	sbr.rel $0x88, $3  }
0x1: {  	(tag) =	ssettag $0x0;
	lr =	simm.s32 $0x1  }
0x2: {  	[smem:$0x3F8F] =	sst lr;
	_ =	strace $0xD0000000  }
0x3: {  	_ = 	snop  }
0x4: {  	_ = 	snop  }
0x5: {  	_ = 	snop  }
0x6: {  	_ = 	snop  }
0x7: {  	_ = 	snop  }
__scs_overlays_trampoline_lowered:
0x8: {  	[smem:$0x3F9E] =	sst s0  }
0x9: {  	[smem:$0x3F9F] =	sst s1  }
0xa: {  	[smem:$0x3FA0] =	sst s2  }
0xb: {  	[smem:$0x3FA1] =	sst s3  }
0xc: {  	[smem:$0x3FA2] =	sst s4  }
0xd: {  	[smem:$0x3FA3] =	sst s5  }
0xe: {  	[smem:$0x3FA4] =	sst s6  }
0xf: {  	[smem:$0x3FA5] =	sst s7  }
0x10: {  	[smem:$0x3FA6] =	sst s8  }
0x11: {  	[smem:$0x3FA7] =	sst s9;
	s0 =	simm.s32 @!p0 $0x0  }
0x12: {  	s1 =	sld [smem:$0x3F8D];
	s0 =	simm.s32 @p0 $0x1  }
0x13: {  	[smem:$0x3FA8] =	sst s0;
	s0 =	simm.s32 @!p1 $0x0  }
0x14: {  	s2 =	sld [smem:$0x3F8C];
	s0 =	simm.s32 @p1 $0x1  }
0x15: {  	[smem:$0x3FA9] =	sst s0;
	s0 =	simm.s32 @!p2 $0x0  }
0x16: {  	s3 =	sld [smem:$0x3FDB];
	s0 =	simm.s32 @p2 $0x1  }
0x17: {  	s4 =	simm.s32 $0x1BF5;
	[smem:$0x3FAB] =	sst s0  }
0x18: {  	s0 =	sld [smem:$0x3F8E];
	_ =	swait.ge [sflag:s4], $0x0  }
0x19: {  	s7 =	sld [smem:$0x3F8F]  }
0x1a: {  	s8 =	sadd.s32 $0xFFFFE003, lr  }
0x1b: {  	s9 =	sadd.s32 $0xFFFFFEF7, lr;
	s5 =	simm.s32 $0xFFFFFFFF;
	p2 =	slt.u32 s8, $0xFFFFF086  }
0x1c: {  	p1 =	slt.u32 s9, $0xF7A;
	s5 =	simm.s32 @!p2 $0x0  }
0x1d: {  	s5 =	simm.s32 @p1 $0x1;
	p0 =	seq.s32 s7, s2  }
0x1e: {  	s7 =	smul.u32 @!p0 $0xF7A, s2;
	p2 =	seq.s32 @!p0 s5, $0x0  }
0x1f: {  	s9 =	smul.u32 $0xF7A, s1;
	s8 =	simm.s32 @!p0 $0x1BF5;
	p2 =	por !p2, p0  }
0x20: {  	[sflag:s8] =	ssyncset.s32 @!p0 $0xFFFFF086;
	s6 =	sadd.s32 @!p0 s3, s7;
	s7 =	simm.s32 @!p0 $0x108  }
0x21: {  	s3 =	sadd.s32 s3, s9;
	s6 =	sadd.s32 @!p0 $0x88, s6;
	s7 =	simm.s32 @p2 $0x1082  }
0x22: {  	[simem:s7], [sflag:s8] =	dma.local @!p0 [hbm:s6], $0xF7A  }
0x23: {  	s9 =	sor.u32 $0xD0000000, s2;
	s6 =	simm.s32 $0x108;
	_ =	swait.ge @!p0 [sflag:s8], $0x0  }
0x24: {  	s3 =	sadd.s32 $0x88, s3;
	s6 =	simm.s32 @!p1 $0x1082;
	[sflag:s4] =	ssyncset.s32 $0xFFFFF086  }
0x25: {  	[simem:s6], [sflag:s4] =	dma.local [hbm:s3], $0xF7A  }
0x26: {  	[smem:$0x3F8F] =	sst s1;
	(tag) =	ssettag s2;
	_ =	strace s9  }
0x27: {  	s1 =	sld [smem:$0x3F9F]  }
0x28: {  	s2 =	sld [smem:$0x3FA0]  }
0x29: {  	s4 =	sld [smem:$0x3FA2]  }
0x2a: {  	p0 =	seq.s32 s5, $0x0;
	s5 =	sld [smem:$0x3FA3]  }
0x2b: {  	s6 =	sld [smem:$0x3FA4]  }
0x2c: {  	s7 =	sld [smem:$0x3FA5]  }
0x2d: {  	s3 =	simm.s32 $0x108;
	s8 =	sld [smem:$0x3FA6]  }
0x2e: {  	s3 =	simm.s32 @!p0 $0x1082;
	s9 =	sld [smem:$0x3FA7]  }
0x2f: {  	lr =	sadd.s32 s0, s3;
	s0 =	sld [smem:$0x3F9E]  }
0x30: {  	s3 =	sld [smem:$0x3FA1]  }
0x31: {  	[smem:$0x3FAA] =	sst s10  }
0x32: {  	s10 =	sld [smem:$0x3FA8];
	_ =	sdelay $0x3  }
0x33: {  	p0 =	seq.s32 s10, $0x1;
	s10 =	sld [smem:$0x3FAA];
	_ =	sdelay $0x3  }
0x34: {  	[smem:$0x3FAA] =	sst s10  }
0x35: {  	s10 =	sld [smem:$0x3FA9];
	_ =	sdelay $0x3  }
0x36: {  	p1 =	seq.s32 s10, $0x1;
	s10 =	sld [smem:$0x3FAA];
	_ =	sdelay $0x3  }
0x37: {  	[smem:$0x3FAA] =	sst s10  }
0x38: {  	s10 =	sld [smem:$0x3FAB]  }
0x39: {  	_ = 	snop;
	(pc) =	sbr.ind lr, $3  }
0x3a: {  	_ = 	snop  }
0x3b: {  	_ = 	snop  }
0x3c: {  	p2 =	seq.s32 s10, $0x1;
	s10 =	sld [smem:$0x3FAA]  }
0x3d: {  	_ =	shalt  }
0x3e: {  	_ =	shalt  }
0x3f: {  	_ =	shalt  }
0x40: {  	_ =	shalt  }
0x41: {  	_ =	shalt  }
0x42: {  	_ =	shalt  }
0x43: {  	_ =	shalt  }
0x44: {  	_ =	shalt  }
0x45: {  	_ =	shalt  }
0x46: {  	_ =	shalt  }
0x47: {  	_ =	shalt  }
0x48: {  	_ =	shalt  }
0x49: {  	_ =	shalt  }
0x4a: {  	_ =	shalt  }
0x4b: {  	_ =	shalt  }
0x4c: {  	_ =	shalt  }
0x4d: {  	_ =	shalt  }
0x4e: {  	_ =	shalt  }
0x4f: {  	_ =	shalt  }
0x50: {  	_ =	shalt  }
0x51: {  	_ =	shalt  }
0x52: {  	_ =	shalt  }
0x53: {  	_ =	shalt  }
0x54: {  	_ =	shalt  }
0x55: {  	_ =	shalt  }
0x56: {  	_ =	shalt  }
0x57: {  	_ =	shalt  }
0x58: {  	_ =	shalt  }
0x59: {  	_ =	shalt  }
0x5a: {  	_ =	shalt  }
0x5b: {  	_ =	shalt  }
0x5c: {  	_ =	shalt  }
0x5d: {  	_ =	shalt  }
0x5e: {  	_ =	shalt  }
0x5f: {  	_ =	shalt  }
0x60: {  	_ =	shalt  }
0x61: {  	_ =	shalt  }
0x62: {  	_ =	shalt  }
0x63: {  	_ =	shalt  }
0x64: {  	_ =	shalt  }
0x65: {  	_ =	shalt  }
0x66: {  	_ =	shalt  }
0x67: {  	_ =	shalt  }
0x68: {  	_ =	shalt  }
0x69: {  	_ =	shalt  }
0x6a: {  	_ =	shalt  }
0x6b: {  	_ =	shalt  }
0x6c: {  	_ =	shalt  }
0x6d: {  	_ =	shalt  }
0x6e: {  	_ =	shalt  }
0x6f: {  	_ =	shalt  }
0x70: {  	_ =	shalt  }
0x71: {  	_ =	shalt  }
0x72: {  	_ =	shalt  }
0x73: {  	_ =	shalt  }
0x74: {  	_ =	shalt  }
0x75: {  	_ =	shalt  }
0x76: {  	_ =	shalt  }
0x77: {  	_ =	shalt  }
0x78: {  	_ =	shalt  }
0x79: {  	_ =	shalt  }
0x7a: {  	_ =	shalt  }
0x7b: {  	_ =	shalt  }
0x7c: {  	_ =	shalt  }
0x7d: {  	_ =	shalt  }
0x7e: {  	_ =	shalt  }
0x7f: {  	_ =	shalt  }
0x80: {  	_ =	shalt  }
0x81: {  	_ =	shalt  }
0x82: {  	_ =	shalt  }
0x83: {  	_ =	shalt  }
0x84: {  	_ =	shalt  }
0x85: {  	_ =	shalt  }
0x86: {  	_ =	shalt  }
0x87: {  	_ =	shalt  }
.Lfunc_end0:
.L_simem_size_0:
called_computation.1_lowered:
.L_overlay_start_0:
0x88: {  	s2 =	sld [smem:$0x3FD9]  }
0x89: {  	s3 =	sld [smem:$0x3FFE];
	_ =	sdelay $0x1  }
0x8a: {  	s1 =	srdreg.scid  }
0x8b: {  	s0 =	sand.u32 $0x1, s1  }
0x8c: {  	s17 =	sshll.u32 s0, $0xA;
	s2 =	sadd.s32 s3, s2  }
0x8d: {  	s2 =	sadd.s32 s2, s17  }
0x8e: {  	[smem:$0x3FB6] =	sst s2  }
0x8f: {  	_ = 	snop  }
0x90: {  	s2 =	sld [smem:$0x3FD0];
	(tm) =	ssettm $0x1  }
0x91: {  	s18 =	sld [smem:$0x3FFB];
	_ =	sdelay $0x3  }
0x92: {  	_ =	strace s18  }
0x93: {  	s3 =	sld [smem:$0x3FFC];
	_ =	sdelay $0x3  }
0x94: {  	_ =	strace s3  }
0x95: {  	s3 =	sld [smem:$0x3FFD];
	_ =	sdelay $0x3  }
0x96: {  	_ =	strace s3  }
0x97: {  	_ =	strace $0x8FFFFFFF  }
0x98: {  	s19 =	sld [smem:$0x3FDB];
	_ =	sdelay $0x1  }
0x99: {  	s4 =	simm.s32 $_scs_section_size  }
0x9a: {  	s5 =	simm.s32 $_size__tile_overlayer_lowered;
	s6 =	simm.s32 $_tile_overlayer_lowered  }
0x9b: {  	s22 =	simm.s32 $0x1BFF;
	s21 =	sshll.u32 s6, $0x1;
	s3 =	sadd.s32 s4, s19  }
0x9c: {  	s7 =	simm.s32 $0x0;
	s20 =	sshll.u32 s5, $0x1;
	s5 =	sadd.s32 s21, s3  }
0x9d: {  	[timem:s7], [sflag:s22] =	dma.local [hbm:s5], s20  }
0x9e: {  	_ =	swait.ge [sflag:s22], s20  }
0x9f: {  	s4 =	ssub.s32 $0x0, s20;
	[sflag:s22] =	ssyncset.done $0x0  }
0xa0: {  	[sflag:s22] =	ssyncadd.s32 s4;
	_ =	sdelay $0x1  }
0xa1: {  	s23 =	simm.s32 $0x1B8B  }
0xa2: {  	_ =	swait.ge [sflag:s23], $0x1  }
0xa3: {  	[sflag:s23] =	ssyncset.done $0x0  }
0xa4: {  	s25 =	simm.s32 $0x1B8E;
	s24 =	sld [smem:$0x3FFE];
	[sflag:s23] =	ssyncadd.s32 $0xFFFFFFFF  }
0xa5: {  	s26 =	simm.s32 $execute0_lowered;
	[smem:$0x3FD2] =	sst s25  }
0xa6: {  	s5 =	sshll.u32 s26, $0x1;
	_ =	strace $0x80000049;
	[dreg:$0x1] =	wrdreg $0xFFFFFFFF  }
0xa7: {  	s28 =	simm.s32 $_size_execute0_lowered;
	s3 =	sadd.s32 s3, s5;
	[dreg:$0x0] =	wrdreg $0x0  }
0xa8: {  	s5 =	sshll.u32 s28, $0x1;
	[dreg:$0x2] =	wrdreg s3  }
0xa9: {  	[dreg:$0x3] =	wrdreg s5  }
0xaa: {  	[dreg:$0x4] =	wrdreg $0xC0  }
0xab: {  	_ =	task [dreg:s7], $0x5FFFF  }
0xac: {  	[dreg:$0x1] =	wrdreg $0xFFFFFFFF  }
0xad: {  	[dreg:$0x0] =	wrdreg $0x60  }
0xae: {  	[dreg:$0x2] =	wrdreg s24  }
0xaf: {  	[dreg:$0x3] =	wrdreg s2  }
0xb0: {  	[dreg:$0x4] =	wrdreg $0x100400  }
0xb1: {  	[dreg:$0x5] =	wrdreg $0x9  }
0xb2: {  	_ =	task.clear_ibuf [dreg:s7], $0x6FFFF;
	_ =	strace $0x90000049  }
0xb3: {  	s29 =	simm.s32 $0x9;
	_ =	strace $0x8000004B  }
0xb4: {  	_ =	swait.ge [sflag:s29], $0x1  }
0xb5: {  	[sflag:s29] =	ssyncadd.s32 $0xFFFFFFFF  }
0xb6: {  	_ =	strace $0x9000004B  }
0xb7: {  	_ =	sfence  }
0xb8: {  	s30 =	sld [smem:$0x0];
	_ =	sdelay $0x2  }
0xb9: {  	s31 =	sshll.u32 s1, $0xD;
	s1 =	sshrl.u32 s1, $0x2  }
0xba: {  	s3 =	sand.u32 $0x4000, s31;
	s1 =	sadd.s32 s1, s30  }
0xbb: {  	s0 =	sor.u32 s3, s0;
	s1 =	sshll.u32 s1, $0x11  }
0xbc: {  	s0 =	sor.u32 s1, s0  }
0xbd: {  	s0 =	sadd.s32 $0x8F2B, s0  }
0xbe: {  	[sflag:s0] =	ssyncadd.remote.s32 $0x1  }
0xbf: {  	_ =	sfence.sel $0xFFFF  }
0xc0: {  	[dreg:$0x0] =	wrdreg $0xFFFFFFFF;
	(pc) =	sbr.abs _section_cstart, $3  }
0xc1: {  	[dreg:$0x1] =	wrdreg $0xFFFFFFFF  }
0xc2: {  	_ =	task.clear_ibuf [dreg:s7], $0x2FFFF;
	_ =	strace $0x9FFFFFFF  }
0xc3: {  	(tm) =	ssettm $0x7FFFFFFF  }
tec
execute0_lowered:
.L_overlay_start_1:
0x0: {  	(tag) =	ssettag $0x1  }
0x1: {  	s0 =	srdreg.scid;
	s1 =	rddreg [dreg:$0x0]  }
0x2: {  	s10 =	stileid.u32;
	s3 =	rddreg [dreg:$0x2];
	s4 =	simm.s32 $0x0  }
0x3: {  	s12 =	simm.s32 $0x3;
	s13 =	simm.s32 $0x1;
	s14 =	simm.s32 $0x50  }
0x4: {  	s15 =	simm.s32 $0x9C40;
	s16 =	simm.s32 $0xB040;
	s18 =	simm.s32 $0xC440  }
0x5: {  	s20 =	simm.s32 $0xD840;
	s22 =	simm.s32 $0xEC40;
	s25 =	simm.s32 $0x2  }
0x6: {  	s30 =	simm.s32 $0x4F10;
	s31 =	simm.s32 $0x230;
	s0 =	sand.u32 $0x1, s0  }
0x7: {  	[smem:$0x7FF] =	sst s4;
	s6 =	smul.u32 $0x9C4, s10;
	s5 =	sadd.s32 $0x20600, s1  }
0x8: {  	s9 =	smul.u32 $0xA000, s10;
	s28 =	sshll.u32 s10, $0x6;
	s2 =	sshll.u32 s0, $0x4  }
0x9: {  	_ =	strace $0x8000004A;
	s7 =	smul.u32 $0x14000, s0;
	s0 =	ssub.s32 $0x2, s0  }
0xa: {  	s2 =	sor.u32 s10, s2;
	s8 =	sadd.s32 s6, s1;
	s26 =	sshrl.u32 s0, $0x1  }
0xb: {  	s11 =	sadd.s32 s9, s3;
	s29 =	sshrl.u32 s9, $0x3;
	s2 =	smul.u32 $0x9C4, s2  }
.Ltmp0:
0xc: {  	s10 =	simm.s32 $0x4E20;
	s0 =	ssub.s32 s0, s26;
	(pc) =	sbr.rel .LBB2_1-.Ltmp0, $4  }
0xd: {  	s11 =	sshrl.u32 s11, $0x3;
	s9 =	smax.u32 s0, $0x1;
	s0 =	simm.s32 $0x280  }
0xe: {  	s2 =	sadd.s32 s2, s1;
	s1 =	sadd.s32 s7, s1;
	s7 =	sadd.s32 $0x2E00, s8  }
0xf: {  	s8 =	sor.u32 $0x1C03, s28;
	s6 =	sadd.s32 $0xCC00, s2;
	s1 =	sadd.s32 $0x47800, s1  }
0x10: {  	s2 =	simm.s32 $0x0;
	s24 =	sadd.s32 s29, s1;
	s1 =	simm.s32 $0x4F60  }
.LBB2_4:
0x11: {  	_ =	swait.ge [sflag:s13], $0x1400  }
0x12: {  	[sflag:s13] =	ssyncset.done $0x0  }
0x13: {  	[sflag:s13] =	ssyncadd.s32 $0xFFFFEC00  }
0x14: {  	[spmem:s3] =	stream.indirect.scatter.add.f32 [tilespmem:s22], [sflag:$0x2], $0x40, s21, s14, $0xb8;
	[tilespmem:$0x1A040] =	vst v63  }
0x15: {  	_ =	swait.ge [sflag:s25], $0x1400  }
0x16: {  	[sflag:s25] =	ssyncset.done $0x0  }
0x17: {  	[sflag:s25] =	ssyncadd.s32 $0xFFFFEC00  }
0x18: {  	_ =	swait.ge [sflag:s25], $0x1400  }
0x19: {  	[sflag:s25] =	ssyncset.done $0x0  }
0x1a: {  	[sflag:s25] =	ssyncadd.s32 $0xFFFFEC00  }
0x1b: {  	_ =	swait.ge [sflag:s25], $0x1400  }
0x1c: {  	[sflag:s25] =	ssyncset.done $0x0  }
0x1d: {  	[sflag:s25] =	ssyncadd.s32 $0xFFFFEC00  }
0x1e: {  	_ =	swait.ge [sflag:s25], $0x1400  }
0x1f: {  	[sflag:s25] =	ssyncset.done $0x0  }
0x20: {  	[sflag:s25] =	ssyncadd.s32 $0xFFFFEC00  }
0x21: {  	_ =	swait.ge [sflag:s25], $0x1400  }
0x22: {  	s2 =	sadd.s32 $0x1, s2;
	[sflag:s25] =	ssyncset.done $0x0  }
0x23: {  	p0 =	sne.s32 s2, s9;
	[sflag:s25] =	ssyncadd.s32 $0xFFFFEC00  }
.Ltmp1:
0x24: {  	[bflag:$0x0] =	sbarrier.arrive $0xFFFF;
	(pc) =	sbr.rel @!p0 .LBB2_5-.Ltmp1, $4  }
0x25: {  	[hbm:s24], [sflag:s8] =	dma.local [spmem:s11], $0x1400  }
0x26: {  	_ =	swait.ge [sflag:s12], $0x1400  }
0x27: {  	[sflag:s12] =	ssyncset.done $0x0  }
0x28: {  	[sflag:s12] =	ssyncadd.s32 $0xFFFFEC00  }
.LBB2_1:
0x29: {  	[tilespmem:s4], [sflag:$0x1] =	stream.linear.gather [hbm4b:s6+s4], $0x4E20, $0x38;
	[tilespmem:$0x1A040] =	vst v63  }
0x2a: {  	s17 =	rddreg [dreg:$0x1]  }
0x2b: {  	[tilespmem:s10], [sflag:$0x1] =	stream.linear.gather [hbm4b:s7+s4], $0x4E20, $0x38;
	[tilespmem:$0x1A040] =	vst v63  }
0x2c: {  	[spmem:s11], [sflag:s8] =	dma.local [hbm:s17], $0x1400  }
0x2d: {  	_ =	swait.ge [sflag:s12], $0x1400  }
0x2e: {  	[sflag:s12] =	ssyncset.done $0x0  }
0x2f: {  	[sflag:s12] =	ssyncadd.s32 $0xFFFFEC00  }
0x30: {  	_ =	swait.ge [sflag:s13], $0x4E20  }
0x31: {  	[sflag:s13] =	ssyncset.done $0x0  }
0x32: {  	[sflag:s13] =	ssyncadd.s32 $0xFFFFB1E0  }
0x33: {  	_ =	swait.ge [sflag:s13], $0x4E20  }
0x34: {  	[sflag:s13] =	ssyncset.done $0x0  }
0x35: {  	[sflag:s13] =	ssyncadd.s32 $0xFFFFB1E0  }
0x36: {  	[bflag:$0x0] =	sbarrier.arrive $0xFFFF  }
0x37: {  	[tilespmem:s15], [sflag:$0x1] =	stream.indirect.gather [hbm4b:s5+s14], $0x40, s4, s14, $0xb8;
	[tilespmem:$0x1A040] =	vst v63  }
0x38: {  	_ = 	snop  }
0x39: {  	[tilespmem:s16], [sflag:$0x1] =	stream.indirect.gather [hbm4b:s5+s14], $0x40, s14, s14, $0xb8;
	[tilespmem:$0x1A040] =	vst v63  }
0x3a: {  	s29 =	simm.s32 $0xA0  }
0x3b: {  	[tilespmem:s18], [sflag:$0x1] =	stream.indirect.gather [hbm4b:s5+s14], $0x40, s29, s14, $0xb8;
	[tilespmem:$0x1A040] =	vst v63  }
0x3c: {  	s19 =	simm.s32 $0xF0  }
0x3d: {  	[tilespmem:s20], [sflag:$0x1] =	stream.indirect.gather [hbm4b:s5+s14], $0x40, s19, s14, $0xb8;
	[tilespmem:$0x1A040] =	vst v63  }
0x3e: {  	_ =	swait.ge [sflag:s13], $0x1400  }
0x3f: {  	[sflag:s13] =	ssyncset.done $0x0  }
0x40: {  	[sflag:s13] =	ssyncadd.s32 $0xFFFFEC00  }
0x41: {  	[spmem:s3] =	stream.indirect.scatter.add.f32 [tilespmem:s15], [sflag:$0x2], $0x40, s10, s14, $0xb8;
	[tilespmem:$0x1A040] =	vst v63  }
0x42: {  	s21 =	simm.s32 $0x140  }
0x43: {  	[tilespmem:s22], [sflag:$0x1] =	stream.indirect.gather [hbm4b:s5+s14], $0x40, s21, s14, $0xb8;
	[tilespmem:$0x1A040] =	vst v63  }
0x44: {  	_ =	swait.ge [sflag:s13], $0x1400  }
0x45: {  	[sflag:s13] =	ssyncset.done $0x0  }
0x46: {  	s23 =	simm.s32 $0x4E70;
	[sflag:s13] =	ssyncadd.s32 $0xFFFFEC00  }
0x47: {  	[spmem:s3] =	stream.indirect.scatter.add.f32 [tilespmem:s16], [sflag:$0x2], $0x40, s23, s14, $0xb8;
	[tilespmem:$0x1A040] =	vst v63  }
0x48: {  	_ =	swait.ge [sflag:s25], $0x1400  }
0x49: {  	[sflag:s25] =	ssyncset.done $0x0  }
0x4a: {  	s26 =	simm.s32 $0x190;
	[sflag:s25] =	ssyncadd.s32 $0xFFFFEC00  }
0x4b: {  	[tilespmem:s15], [sflag:$0x1] =	stream.indirect.gather [hbm4b:s5+s14], $0x40, s26, s14, $0xb8;
	[tilespmem:$0x1A040] =	vst v63  }
0x4c: {  	_ =	swait.ge [sflag:s13], $0x1400  }
0x4d: {  	[sflag:s13] =	ssyncset.done $0x0  }
0x4e: {  	s28 =	simm.s32 $0x4EC0;
	[sflag:s13] =	ssyncadd.s32 $0xFFFFEC00  }
0x4f: {  	[spmem:s3] =	stream.indirect.scatter.add.f32 [tilespmem:s18], [sflag:$0x2], $0x40, s28, s14, $0xb8;
	[tilespmem:$0x1A040] =	vst v63  }
0x50: {  	_ =	swait.ge [sflag:s25], $0x1400  }
0x51: {  	[sflag:s25] =	ssyncset.done $0x0  }
0x52: {  	s29 =	simm.s32 $0x1E0;
	[sflag:s25] =	ssyncadd.s32 $0xFFFFEC00  }
0x53: {  	[tilespmem:s16], [sflag:$0x1] =	stream.indirect.gather [hbm4b:s5+s14], $0x40, s29, s14, $0xb8;
	[tilespmem:$0x1A040] =	vst v63  }
0x54: {  	_ =	swait.ge [sflag:s13], $0x1400  }
0x55: {  	[sflag:s13] =	ssyncset.done $0x0  }
0x56: {  	[sflag:s13] =	ssyncadd.s32 $0xFFFFEC00  }
0x57: {  	[spmem:s3] =	stream.indirect.scatter.add.f32 [tilespmem:s20], [sflag:$0x2], $0x40, s30, s14, $0xb8;
	[tilespmem:$0x1A040] =	vst v63  }
0x58: {  	_ =	swait.ge [sflag:s25], $0x1400  }
0x59: {  	[sflag:s25] =	ssyncset.done $0x0  }
0x5a: {  	[sflag:s25] =	ssyncadd.s32 $0xFFFFEC00  }
0x5b: {  	[tilespmem:s18], [sflag:$0x1] =	stream.indirect.gather [hbm4b:s5+s14], $0x40, s31, s14, $0xb8;
	[tilespmem:$0x1A040] =	vst v63  }
0x5c: {  	_ =	swait.ge [sflag:s13], $0x1400  }
0x5d: {  	[sflag:s13] =	ssyncset.done $0x0  }
0x5e: {  	[sflag:s13] =	ssyncadd.s32 $0xFFFFEC00  }
0x5f: {  	[spmem:s3] =	stream.indirect.scatter.add.f32 [tilespmem:s22], [sflag:$0x2], $0x40, s1, s14, $0xb8;
	[tilespmem:$0x1A040] =	vst v63  }
0x60: {  	_ =	swait.ge [sflag:s25], $0x1400  }
0x61: {  	[sflag:s25] =	ssyncset.done $0x0  }
0x62: {  	s17 =	simm.s32 $0x0;
	[sflag:s25] =	ssyncadd.s32 $0xFFFFEC00  }
0x63: {  	[tilespmem:s20], [sflag:$0x1] =	stream.indirect.gather [hbm4b:s5+s14], $0x40, s0, s14, $0xb8;
	[tilespmem:$0x1A040] =	vst v63  }
.LBB2_2:
0x64: {  	_ =	swait.ge [sflag:s13], $0x1400  }
0x65: {  	s19 =	sshra.s32 s17, $0x2;
	[sflag:s13] =	ssyncset.done $0x0  }
0x66: {  	s21 =	sadd.s32 $0x4FB0, s19;
	[sflag:s13] =	ssyncadd.s32 $0xFFFFEC00  }
0x67: {  	[spmem:s3] =	stream.indirect.scatter.add.f32 [tilespmem:s15], [sflag:$0x2], $0x40, s21, s14, $0xb8;
	[tilespmem:$0x1A040] =	vst v63  }
0x68: {  	_ =	swait.ge [sflag:s25], $0x1400  }
0x69: {  	[sflag:s25] =	ssyncset.done $0x0  }
0x6a: {  	s26 =	sadd.s32 $0x2D0, s19;
	[sflag:s25] =	ssyncadd.s32 $0xFFFFEC00  }
0x6b: {  	[tilespmem:s22], [sflag:$0x1] =	stream.indirect.gather [hbm4b:s5+s14], $0x40, s26, s14, $0xb8;
	[tilespmem:$0x1A040] =	vst v63  }
0x6c: {  	_ =	swait.ge [sflag:s13], $0x1400  }
0x6d: {  	p0 =	seq.s32 s17, $0x12C00;
	[sflag:s13] =	ssyncset.done $0x0  }
0x6e: {  	s28 =	sadd.s32 $0x5000, s19;
	s21 =	simm.s32 @p0 $0x1;
	[sflag:s13] =	ssyncadd.s32 $0xFFFFEC00  }
0x6f: {  	[spmem:s3] =	stream.indirect.scatter.add.f32 [tilespmem:s16], [sflag:$0x2], $0x40, s28, s14, $0xb8;
	[tilespmem:$0x1A040] =	vst v63  }
0x70: {  	_ =	swait.ge @p0 [sflag:s21], $0x1400  }
0x71: {  	[sflag:s21] =	ssyncset.done @p0 $0x0  }
0x72: {  	[sflag:s21] =	ssyncadd.s32 @p0 $0xFFFFEC00;
	s21 =	sshra.s32 @p0 s17, $0x2  }
0x73: {  	s23 =	simm.s32 @p0 $0x50;
	s26 =	simm.s32 @p0 $0xC440;
	s21 =	sadd.s32 @p0 $0x5050, s21  }
0x74: {  	[spmem:s3] =	stream.indirect.scatter.add.f32 @p0 [tilespmem:s26], [sflag:$0x2], $0x40, s21, s23, $0xb8;
	[tilespmem:$0x1A040] =	vst v63  }
0x75: {  	s21 =	simm.s32 @!p0 $0x2  }
0x76: {  	_ =	swait.ge @!p0 [sflag:s21], $0x1400  }
0x77: {  	s29 =	simm.s32 @!p0 $0x9C40;
	s23 =	sshra.s32 @!p0 s17, $0x2;
	[sflag:s21] =	ssyncset.done @!p0 $0x0  }
0x78: {  	s28 =	simm.s32 @!p0 $0x50;
	s26 =	sadd.s32 @!p0 $0x320, s23;
	[sflag:s21] =	ssyncadd.s32 @!p0 $0xFFFFEC00  }
0x79: {  	[tilespmem:s29], [sflag:$0x1] =	stream.indirect.gather @!p0 [hbm4b:s5+s28], $0x40, s26, s28, $0xb8;
	[tilespmem:$0x1A040] =	vst v63  }
0x7a: {  	s26 =	simm.s32 @!p0 $0x1  }
0x7b: {  	_ =	swait.ge @!p0 [sflag:s26], $0x1400  }
0x7c: {  	[sflag:s26] =	ssyncset.done @!p0 $0x0  }
0x7d: {  	s29 =	simm.s32 @!p0 $0xC440;
	[sflag:s26] =	ssyncadd.s32 @!p0 $0xFFFFEC00;
	s26 =	sadd.s32 @!p0 $0x5050, s23  }
0x7e: {  	[spmem:s3] =	stream.indirect.scatter.add.f32 @!p0 [tilespmem:s29], [sflag:$0x2], $0x40, s26, s28, $0xb8;
	[tilespmem:$0x1A040] =	vst v63  }
0x7f: {  	_ =	swait.ge @!p0 [sflag:s21], $0x1400  }
0x80: {  	[sflag:s21] =	ssyncset.done @!p0 $0x0  }
0x81: {  	[sflag:s21] =	ssyncadd.s32 @!p0 $0xFFFFEC00;
	s21 =	sadd.s32 @!p0 $0x370, s23;
	s23 =	simm.s32 @!p0 $0xB040  }
0x82: {  	[tilespmem:s23], [sflag:$0x1] =	stream.indirect.gather @!p0 [hbm4b:s5+s28], $0x40, s21, s28, $0xb8;
	[tilespmem:$0x1A040] =	vst v63  }
.Ltmp2:
0x83: {  	_ = 	snop;
	(pc) =	sbr.rel @p0 .LBB2_4-.Ltmp2, $4  }
0x84: {  	_ =	swait.ge [sflag:s13], $0x1400  }
0x85: {  	[sflag:s13] =	ssyncset.done $0x0  }
0x86: {  	s29 =	sadd.s32 $0x50A0, s19;
	s21 =	sadd.s32 $0x50F0, s19;
	[sflag:s13] =	ssyncadd.s32 $0xFFFFEC00  }
0x87: {  	[spmem:s3] =	stream.indirect.scatter.add.f32 [tilespmem:s20], [sflag:$0x2], $0x40, s29, s14, $0xb8;
	[tilespmem:$0x1A040] =	vst v63  }
0x88: {  	_ =	swait.ge [sflag:s25], $0x1400  }
0x89: {  	[sflag:s25] =	ssyncset.done $0x0  }
0x8a: {  	s23 =	sadd.s32 $0x3C0, s19;
	[sflag:s25] =	ssyncadd.s32 $0xFFFFEC00  }
0x8b: {  	[tilespmem:s18], [sflag:$0x1] =	stream.indirect.gather [hbm4b:s5+s14], $0x40, s23, s14, $0xb8;
	[tilespmem:$0x1A040] =	vst v63  }
0x8c: {  	_ =	swait.ge [sflag:s13], $0x1400  }
0x8d: {  	[sflag:s13] =	ssyncset.done $0x0  }
0x8e: {  	[sflag:s13] =	ssyncadd.s32 $0xFFFFEC00  }
0x8f: {  	[spmem:s3] =	stream.indirect.scatter.add.f32 [tilespmem:s22], [sflag:$0x2], $0x40, s21, s14, $0xb8;
	[tilespmem:$0x1A040] =	vst v63  }
.Ltmp3:
0x90: {  	_ = 	snop;
	(pc) =	sbr.rel .LBB2_2-.Ltmp3, $4  }
0x91: {  	_ =	swait.ge [sflag:s25], $0x1400  }
0x92: {  	[sflag:s25] =	ssyncset.done $0x0  }
0x93: {  	s29 =	sadd.s32 $0x410, s19;
	s17 =	sadd.s32 $0x640, s17;
	[sflag:s25] =	ssyncadd.s32 $0xFFFFEC00  }
0x94: {  	[tilespmem:s20], [sflag:$0x1] =	stream.indirect.gather [hbm4b:s5+s14], $0x40, s29, s14, $0xb8;
	[tilespmem:$0x1A040] =	vst v63  }
.LBB2_5:
0x95: {  	_ =	sfence.sel $0x180000  }
0x96: {  	[bflag:$0x0] =	sbarrier.arrive $0xFFFF  }
0x97: {  	_ =	strace $0x9000004A  }
0x98: {  	s0 =	stileid.u32;
	[bflag:$0x2] =	sbarrier.arrive $0xFFFF  }
0x99: {  	p0 =	sne.s32 s0, $0x0;
	s0 =	rddreg [dreg:$0x3]  }
0x9a: {  	s0 =	sadd.s32 @!p0 $0x100000, s0  }
0x9b: {  	[sflag:s0] =	ssyncadd.tile.s32 @!p0 $0x1;
	_ =	shalt  }
.Lfunc_end2:
_tile_overlayer_lowered:
.L_overlay_start_2:
0x9c: {  	(tag) =	ssettag $0x2  }
0x9d: {  	s0 =	rddreg [dreg:$0x0];
	s2 =	stileid.u32  }
0x9e: {  	s1 =	rddreg [dreg:$0x1];
	p0 =	sne.s32 s2, $0x0  }
0x9f: {  	s3 =	rddreg [dreg:$0x2];
	[bflag:$0x3] =	sbarrier.arrive $0xFFFF;
	s2 =	simm.s32 @!p0 $0x1C03  }
0xa0: {  	[timem:s3], [sflag:s2] =	dma.local @!p0 [hbm:s0], s1  }
0xa1: {  	s0 =	simm.s32 @!p0 $0x3  }
0xa2: {  	_ =	swait.ge @!p0 [sflag:s0], s1  }
0xa3: {  	s1 =	ssub.s32 @!p0 $0x0, s1;
	[sflag:s0] =	ssyncset.done @!p0 $0x0  }
0xa4: {  	[sflag:s0] =	ssyncadd.s32 @!p0 s1  }
0xa5: {  	[bflag:$0x3] =	sbarrier.arrive $0xFFFF  }
0xa6: {  	_ =	shalt  }

// kernel: kernel.8.cloned.1.call-start
scs
__scs_entry_jumppad:
0x0: {  	(pc) =	sbr.rel $0x88, $3  }
0x1: {  	(tag) =	ssettag $0x0;
	lr =	simm.s32 $0x1  }
0x2: {  	[smem:$0x3F8F] =	sst lr;
	_ =	strace $0xD0000000  }
0x3: {  	_ = 	snop  }
0x4: {  	_ = 	snop  }
0x5: {  	_ = 	snop  }
0x6: {  	_ = 	snop  }
0x7: {  	_ = 	snop  }
__scs_overlays_trampoline_lowered:
0x8: {  	[smem:$0x3F9E] =	sst s0  }
0x9: {  	[smem:$0x3F9F] =	sst s1  }
0xa: {  	[smem:$0x3FA0] =	sst s2  }
0xb: {  	[smem:$0x3FA1] =	sst s3  }
0xc: {  	[smem:$0x3FA2] =	sst s4  }
0xd: {  	[smem:$0x3FA3] =	sst s5  }
0xe: {  	[smem:$0x3FA4] =	sst s6  }
0xf: {  	[smem:$0x3FA5] =	sst s7  }
0x10: {  	[smem:$0x3FA6] =	sst s8  }
0x11: {  	[smem:$0x3FA7] =	sst s9;
	s0 =	simm.s32 @!p0 $0x0  }
0x12: {  	s1 =	sld [smem:$0x3F8D];
	s0 =	simm.s32 @p0 $0x1  }
0x13: {  	[smem:$0x3FA8] =	sst s0;
	s0 =	simm.s32 @!p1 $0x0  }
0x14: {  	s2 =	sld [smem:$0x3F8C];
	s0 =	simm.s32 @p1 $0x1  }
0x15: {  	[smem:$0x3FA9] =	sst s0;
	s0 =	simm.s32 @!p2 $0x0  }
0x16: {  	s3 =	sld [smem:$0x3FDB];
	s0 =	simm.s32 @p2 $0x1  }
0x17: {  	s4 =	simm.s32 $0x1BF5;
	[smem:$0x3FAB] =	sst s0  }
0x18: {  	s0 =	sld [smem:$0x3F8E];
	_ =	swait.ge [sflag:s4], $0x0  }
0x19: {  	s7 =	sld [smem:$0x3F8F]  }
0x1a: {  	s8 =	sadd.s32 $0xFFFFE003, lr  }
0x1b: {  	s9 =	sadd.s32 $0xFFFFFEF7, lr;
	s5 =	simm.s32 $0xFFFFFFFF;
	p2 =	slt.u32 s8, $0xFFFFF086  }
0x1c: {  	p1 =	slt.u32 s9, $0xF7A;
	s5 =	simm.s32 @!p2 $0x0  }
0x1d: {  	s5 =	simm.s32 @p1 $0x1;
	p0 =	seq.s32 s7, s2  }
0x1e: {  	s7 =	smul.u32 @!p0 $0xF7A, s2;
	p2 =	seq.s32 @!p0 s5, $0x0  }
0x1f: {  	s9 =	smul.u32 $0xF7A, s1;
	s8 =	simm.s32 @!p0 $0x1BF5;
	p2 =	por !p2, p0  }
0x20: {  	[sflag:s8] =	ssyncset.s32 @!p0 $0xFFFFF086;
	s6 =	sadd.s32 @!p0 s3, s7;
	s7 =	simm.s32 @!p0 $0x108  }
0x21: {  	s3 =	sadd.s32 s3, s9;
	s6 =	sadd.s32 @!p0 $0x88, s6;
	s7 =	simm.s32 @p2 $0x1082  }
0x22: {  	[simem:s7], [sflag:s8] =	dma.local @!p0 [hbm:s6], $0xF7A  }
0x23: {  	s9 =	sor.u32 $0xD0000000, s2;
	s6 =	simm.s32 $0x108;
	_ =	swait.ge @!p0 [sflag:s8], $0x0  }
0x24: {  	s3 =	sadd.s32 $0x88, s3;
	s6 =	simm.s32 @!p1 $0x1082;
	[sflag:s4] =	ssyncset.s32 $0xFFFFF086  }
0x25: {  	[simem:s6], [sflag:s4] =	dma.local [hbm:s3], $0xF7A  }
0x26: {  	[smem:$0x3F8F] =	sst s1;
	(tag) =	ssettag s2;
	_ =	strace s9  }
0x27: {  	s1 =	sld [smem:$0x3F9F]  }
0x28: {  	s2 =	sld [smem:$0x3FA0]  }
0x29: {  	s4 =	sld [smem:$0x3FA2]  }
0x2a: {  	p0 =	seq.s32 s5, $0x0;
	s5 =	sld [smem:$0x3FA3]  }
0x2b: {  	s6 =	sld [smem:$0x3FA4]  }
0x2c: {  	s7 =	sld [smem:$0x3FA5]  }
0x2d: {  	s3 =	simm.s32 $0x108;
	s8 =	sld [smem:$0x3FA6]  }
0x2e: {  	s3 =	simm.s32 @!p0 $0x1082;
	s9 =	sld [smem:$0x3FA7]  }
0x2f: {  	lr =	sadd.s32 s0, s3;
	s0 =	sld [smem:$0x3F9E]  }
0x30: {  	s3 =	sld [smem:$0x3FA1]  }
0x31: {  	[smem:$0x3FAA] =	sst s10  }
0x32: {  	s10 =	sld [smem:$0x3FA8];
	_ =	sdelay $0x3  }
0x33: {  	p0 =	seq.s32 s10, $0x1;
	s10 =	sld [smem:$0x3FAA];
	_ =	sdelay $0x3  }
0x34: {  	[smem:$0x3FAA] =	sst s10  }
0x35: {  	s10 =	sld [smem:$0x3FA9];
	_ =	sdelay $0x3  }
0x36: {  	p1 =	seq.s32 s10, $0x1;
	s10 =	sld [smem:$0x3FAA];
	_ =	sdelay $0x3  }
0x37: {  	[smem:$0x3FAA] =	sst s10  }
0x38: {  	s10 =	sld [smem:$0x3FAB]  }
0x39: {  	_ = 	snop;
	(pc) =	sbr.ind lr, $3  }
0x3a: {  	_ = 	snop  }
0x3b: {  	_ = 	snop  }
0x3c: {  	p2 =	seq.s32 s10, $0x1;
	s10 =	sld [smem:$0x3FAA]  }
0x3d: {  	_ =	shalt  }
0x3e: {  	_ =	shalt  }
0x3f: {  	_ =	shalt  }
0x40: {  	_ =	shalt  }
0x41: {  	_ =	shalt  }
0x42: {  	_ =	shalt  }
0x43: {  	_ =	shalt  }
0x44: {  	_ =	shalt  }
0x45: {  	_ =	shalt  }
0x46: {  	_ =	shalt  }
0x47: {  	_ =	shalt  }
0x48: {  	_ =	shalt  }
0x49: {  	_ =	shalt  }
0x4a: {  	_ =	shalt  }
0x4b: {  	_ =	shalt  }
0x4c: {  	_ =	shalt  }
0x4d: {  	_ =	shalt  }
0x4e: {  	_ =	shalt  }
0x4f: {  	_ =	shalt  }
0x50: {  	_ =	shalt  }
0x51: {  	_ =	shalt  }
0x52: {  	_ =	shalt  }
0x53: {  	_ =	shalt  }
0x54: {  	_ =	shalt  }
0x55: {  	_ =	shalt  }
0x56: {  	_ =	shalt  }
0x57: {  	_ =	shalt  }
0x58: {  	_ =	shalt  }
0x59: {  	_ =	shalt  }
0x5a: {  	_ =	shalt  }
0x5b: {  	_ =	shalt  }
0x5c: {  	_ =	shalt  }
0x5d: {  	_ =	shalt  }
0x5e: {  	_ =	shalt  }
0x5f: {  	_ =	shalt  }
0x60: {  	_ =	shalt  }
0x61: {  	_ =	shalt  }
0x62: {  	_ =	shalt  }
0x63: {  	_ =	shalt  }
0x64: {  	_ =	shalt  }
0x65: {  	_ =	shalt  }
0x66: {  	_ =	shalt  }
0x67: {  	_ =	shalt  }
0x68: {  	_ =	shalt  }
0x69: {  	_ =	shalt  }
0x6a: {  	_ =	shalt  }
0x6b: {  	_ =	shalt  }
0x6c: {  	_ =	shalt  }
0x6d: {  	_ =	shalt  }
0x6e: {  	_ =	shalt  }
0x6f: {  	_ =	shalt  }
0x70: {  	_ =	shalt  }
0x71: {  	_ =	shalt  }
0x72: {  	_ =	shalt  }
0x73: {  	_ =	shalt  }
0x74: {  	_ =	shalt  }
0x75: {  	_ =	shalt  }
0x76: {  	_ =	shalt  }
0x77: {  	_ =	shalt  }
0x78: {  	_ =	shalt  }
0x79: {  	_ =	shalt  }
0x7a: {  	_ =	shalt  }
0x7b: {  	_ =	shalt  }
0x7c: {  	_ =	shalt  }
0x7d: {  	_ =	shalt  }
0x7e: {  	_ =	shalt  }
0x7f: {  	_ =	shalt  }
0x80: {  	_ =	shalt  }
0x81: {  	_ =	shalt  }
0x82: {  	_ =	shalt  }
0x83: {  	_ =	shalt  }
0x84: {  	_ =	shalt  }
0x85: {  	_ =	shalt  }
0x86: {  	_ =	shalt  }
0x87: {  	_ =	shalt  }
.Lfunc_end0:
.L_simem_size_0:
called_computation_lowered:
.L_overlay_start_0:
0x88: {  	s2 =	sld [smem:$0x3FD9]  }
0x89: {  	s3 =	sld [smem:$0x3FFE];
	_ =	sdelay $0x1  }
0x8a: {  	s1 =	srdreg.scid  }
0x8b: {  	s0 =	sand.u32 $0x1, s1  }
0x8c: {  	s17 =	sshll.u32 s0, $0xA;
	s2 =	sadd.s32 s3, s2  }
0x8d: {  	s2 =	sadd.s32 s2, s17  }
0x8e: {  	[smem:$0x3FB6] =	sst s2  }
0x8f: {  	_ = 	snop  }
0x90: {  	s2 =	sld [smem:$0x3FD0];
	(tm) =	ssettm $0x1  }
0x91: {  	s18 =	sld [smem:$0x3FFB];
	_ =	sdelay $0x3  }
0x92: {  	_ =	strace s18  }
0x93: {  	s3 =	sld [smem:$0x3FFC];
	_ =	sdelay $0x3  }
0x94: {  	_ =	strace s3  }
0x95: {  	s3 =	sld [smem:$0x3FFD];
	_ =	sdelay $0x3  }
0x96: {  	_ =	strace s3  }
0x97: {  	_ =	strace $0x8FFFFFFF  }
0x98: {  	s19 =	sld [smem:$0x3FDB];
	_ =	sdelay $0x1  }
0x99: {  	s4 =	simm.s32 $_scs_section_size  }
0x9a: {  	s5 =	simm.s32 $_size__tile_overlayer_lowered;
	s6 =	simm.s32 $_tile_overlayer_lowered  }
0x9b: {  	s22 =	simm.s32 $0x1BFF;
	s21 =	sshll.u32 s6, $0x1;
	s3 =	sadd.s32 s4, s19  }
0x9c: {  	s7 =	simm.s32 $0x0;
	s20 =	sshll.u32 s5, $0x1;
	s5 =	sadd.s32 s21, s3  }
0x9d: {  	[timem:s7], [sflag:s22] =	dma.local [hbm:s5], s20  }
0x9e: {  	_ =	swait.ge [sflag:s22], s20  }
0x9f: {  	s4 =	ssub.s32 $0x0, s20;
	[sflag:s22] =	ssyncset.done $0x0  }
0xa0: {  	[sflag:s22] =	ssyncadd.s32 s4;
	_ =	sdelay $0x1  }
0xa1: {  	s23 =	simm.s32 $0x1B8B  }
0xa2: {  	_ =	swait.ge [sflag:s23], $0x1  }
0xa3: {  	[sflag:s23] =	ssyncset.done $0x0  }
0xa4: {  	s25 =	simm.s32 $0x1B8E;
	s24 =	sld [smem:$0x3FFE];
	[sflag:s23] =	ssyncadd.s32 $0xFFFFFFFF  }
0xa5: {  	s26 =	simm.s32 $execute0_lowered;
	[smem:$0x3FD2] =	sst s25  }
0xa6: {  	s5 =	sshll.u32 s26, $0x1;
	_ =	strace $0x80000046;
	[dreg:$0x1] =	wrdreg $0xFFFFFFFF  }
0xa7: {  	s28 =	simm.s32 $_size_execute0_lowered;
	s3 =	sadd.s32 s3, s5;
	[dreg:$0x0] =	wrdreg $0x0  }
0xa8: {  	s5 =	sshll.u32 s28, $0x1;
	[dreg:$0x2] =	wrdreg s3  }
0xa9: {  	[dreg:$0x3] =	wrdreg s5  }
0xaa: {  	[dreg:$0x4] =	wrdreg $0xC0  }
0xab: {  	_ =	task [dreg:s7], $0x5FFFF  }
0xac: {  	[dreg:$0x1] =	wrdreg $0xFFFFFFFF  }
0xad: {  	[dreg:$0x0] =	wrdreg $0x60  }
0xae: {  	[dreg:$0x2] =	wrdreg s24  }
0xaf: {  	[dreg:$0x3] =	wrdreg s2  }
0xb0: {  	[dreg:$0x4] =	wrdreg $0x100400  }
0xb1: {  	[dreg:$0x5] =	wrdreg $0x9  }
0xb2: {  	_ =	task.clear_ibuf [dreg:s7], $0x6FFFF;
	_ =	strace $0x90000046  }
0xb3: {  	s29 =	simm.s32 $0x9;
	_ =	strace $0x80000048  }
0xb4: {  	_ =	swait.ge [sflag:s29], $0x1  }
0xb5: {  	[sflag:s29] =	ssyncadd.s32 $0xFFFFFFFF  }
0xb6: {  	_ =	strace $0x90000048  }
0xb7: {  	_ =	sfence  }
0xb8: {  	s30 =	sld [smem:$0x0];
	_ =	sdelay $0x2  }
0xb9: {  	s31 =	sshll.u32 s1, $0xD;
	s1 =	sshrl.u32 s1, $0x2  }
0xba: {  	s3 =	sand.u32 $0x4000, s31;
	s1 =	sadd.s32 s1, s30  }
0xbb: {  	s0 =	sor.u32 s3, s0;
	s1 =	sshll.u32 s1, $0x11  }
0xbc: {  	s0 =	sor.u32 s1, s0  }
0xbd: {  	s0 =	sadd.s32 $0x8F2B, s0  }
0xbe: {  	[sflag:s0] =	ssyncadd.remote.s32 $0x1  }
0xbf: {  	_ =	sfence.sel $0xFFFF  }
0xc0: {  	[dreg:$0x0] =	wrdreg $0xFFFFFFFF;
	(pc) =	sbr.abs _section_cstart, $3  }
0xc1: {  	[dreg:$0x1] =	wrdreg $0xFFFFFFFF  }
0xc2: {  	_ =	task.clear_ibuf [dreg:s7], $0x2FFFF;
	_ =	strace $0x9FFFFFFF  }
0xc3: {  	(tm) =	ssettm $0x7FFFFFFF  }
tec
execute0_lowered:
.L_overlay_start_1:
0x0: {  	(tag) =	ssettag $0x1  }
0x1: {  	s0 =	srdreg.scid;
	s1 =	rddreg [dreg:$0x0]  }
0x2: {  	s10 =	stileid.u32;
	s3 =	rddreg [dreg:$0x2];
	s4 =	simm.s32 $0x0  }
0x3: {  	s12 =	simm.s32 $0x3;
	s13 =	simm.s32 $0x1;
	s14 =	simm.s32 $0x50  }
0x4: {  	s15 =	simm.s32 $0x9C40;
	s16 =	simm.s32 $0xB040;
	s18 =	simm.s32 $0xC440  }
0x5: {  	s20 =	simm.s32 $0xD840;
	s22 =	simm.s32 $0xEC40;
	s25 =	simm.s32 $0x2  }
0x6: {  	s30 =	simm.s32 $0x4F10;
	s31 =	simm.s32 $0x230;
	s0 =	sand.u32 $0x1, s0  }
0x7: {  	[smem:$0x7FF] =	sst s4;
	s6 =	smul.u32 $0x9C4, s10;
	s5 =	sadd.s32 $0x20600, s1  }
0x8: {  	s9 =	smul.u32 $0xA000, s10;
	s28 =	sshll.u32 s10, $0x6;
	s2 =	sshll.u32 s0, $0x4  }
0x9: {  	_ =	strace $0x80000047;
	s7 =	smul.u32 $0x14000, s0;
	s0 =	ssub.s32 $0x2, s0  }
0xa: {  	s2 =	sor.u32 s10, s2;
	s8 =	sadd.s32 s6, s1;
	s26 =	sshrl.u32 s0, $0x1  }
0xb: {  	s11 =	sadd.s32 s9, s3;
	s29 =	sshrl.u32 s9, $0x3;
	s2 =	smul.u32 $0x9C4, s2  }
.Ltmp0:
0xc: {  	s10 =	simm.s32 $0x4E20;
	s0 =	ssub.s32 s0, s26;
	(pc) =	sbr.rel .LBB2_1-.Ltmp0, $4  }
0xd: {  	s11 =	sshrl.u32 s11, $0x3;
	s9 =	smax.u32 s0, $0x1;
	s0 =	simm.s32 $0x280  }
0xe: {  	s2 =	sadd.s32 s2, s1;
	s1 =	sadd.s32 s7, s1;
	s7 =	sadd.s32 $0x2E00, s8  }
0xf: {  	s8 =	sor.u32 $0x1C03, s28;
	s6 =	sadd.s32 $0xCC00, s2;
	s1 =	sadd.s32 $0x47800, s1  }
0x10: {  	s2 =	simm.s32 $0x0;
	s24 =	sadd.s32 s29, s1;
	s1 =	simm.s32 $0x4F60  }
.LBB2_4:
0x11: {  	_ =	swait.ge [sflag:s13], $0x1400  }
0x12: {  	[sflag:s13] =	ssyncset.done $0x0  }
0x13: {  	[sflag:s13] =	ssyncadd.s32 $0xFFFFEC00  }
0x14: {  	[spmem:s3] =	stream.indirect.scatter.add.f32 [tilespmem:s22], [sflag:$0x2], $0x40, s21, s14, $0xb8;
	[tilespmem:$0x1A040] =	vst v63  }
0x15: {  	_ =	swait.ge [sflag:s25], $0x1400  }
0x16: {  	[sflag:s25] =	ssyncset.done $0x0  }
0x17: {  	[sflag:s25] =	ssyncadd.s32 $0xFFFFEC00  }
0x18: {  	_ =	swait.ge [sflag:s25], $0x1400  }
0x19: {  	[sflag:s25] =	ssyncset.done $0x0  }
0x1a: {  	[sflag:s25] =	ssyncadd.s32 $0xFFFFEC00  }
0x1b: {  	_ =	swait.ge [sflag:s25], $0x1400  }
0x1c: {  	[sflag:s25] =	ssyncset.done $0x0  }
0x1d: {  	[sflag:s25] =	ssyncadd.s32 $0xFFFFEC00  }
0x1e: {  	_ =	swait.ge [sflag:s25], $0x1400  }
0x1f: {  	[sflag:s25] =	ssyncset.done $0x0  }
0x20: {  	[sflag:s25] =	ssyncadd.s32 $0xFFFFEC00  }
0x21: {  	_ =	swait.ge [sflag:s25], $0x1400  }
0x22: {  	s2 =	sadd.s32 $0x1, s2;
	[sflag:s25] =	ssyncset.done $0x0  }
0x23: {  	p0 =	sne.s32 s2, s9;
	[sflag:s25] =	ssyncadd.s32 $0xFFFFEC00  }
.Ltmp1:
0x24: {  	[bflag:$0x0] =	sbarrier.arrive $0xFFFF;
	(pc) =	sbr.rel @!p0 .LBB2_5-.Ltmp1, $4  }
0x25: {  	[hbm:s24], [sflag:s8] =	dma.local [spmem:s11], $0x1400  }
0x26: {  	_ =	swait.ge [sflag:s12], $0x1400  }
0x27: {  	[sflag:s12] =	ssyncset.done $0x0  }
0x28: {  	[sflag:s12] =	ssyncadd.s32 $0xFFFFEC00  }
.LBB2_1:
0x29: {  	[tilespmem:s4], [sflag:$0x1] =	stream.linear.gather [hbm4b:s6+s4], $0x4E20, $0x38;
	[tilespmem:$0x1A040] =	vst v63  }
0x2a: {  	s17 =	rddreg [dreg:$0x1]  }
0x2b: {  	[tilespmem:s10], [sflag:$0x1] =	stream.linear.gather [hbm4b:s7+s4], $0x4E20, $0x38;
	[tilespmem:$0x1A040] =	vst v63  }
0x2c: {  	[spmem:s11], [sflag:s8] =	dma.local [hbm:s17], $0x1400  }
0x2d: {  	_ =	swait.ge [sflag:s12], $0x1400  }
0x2e: {  	[sflag:s12] =	ssyncset.done $0x0  }
0x2f: {  	[sflag:s12] =	ssyncadd.s32 $0xFFFFEC00  }
0x30: {  	_ =	swait.ge [sflag:s13], $0x4E20  }
0x31: {  	[sflag:s13] =	ssyncset.done $0x0  }
0x32: {  	[sflag:s13] =	ssyncadd.s32 $0xFFFFB1E0  }
0x33: {  	_ =	swait.ge [sflag:s13], $0x4E20  }
0x34: {  	[sflag:s13] =	ssyncset.done $0x0  }
0x35: {  	[sflag:s13] =	ssyncadd.s32 $0xFFFFB1E0  }
0x36: {  	[bflag:$0x0] =	sbarrier.arrive $0xFFFF  }
0x37: {  	[tilespmem:s15], [sflag:$0x1] =	stream.indirect.gather [hbm4b:s5+s14], $0x40, s4, s14, $0xb8;
	[tilespmem:$0x1A040] =	vst v63  }
0x38: {  	_ = 	snop  }
0x39: {  	[tilespmem:s16], [sflag:$0x1] =	stream.indirect.gather [hbm4b:s5+s14], $0x40, s14, s14, $0xb8;
	[tilespmem:$0x1A040] =	vst v63  }
0x3a: {  	s29 =	simm.s32 $0xA0  }
0x3b: {  	[tilespmem:s18], [sflag:$0x1] =	stream.indirect.gather [hbm4b:s5+s14], $0x40, s29, s14, $0xb8;
	[tilespmem:$0x1A040] =	vst v63  }
0x3c: {  	s19 =	simm.s32 $0xF0  }
0x3d: {  	[tilespmem:s20], [sflag:$0x1] =	stream.indirect.gather [hbm4b:s5+s14], $0x40, s19, s14, $0xb8;
	[tilespmem:$0x1A040] =	vst v63  }
0x3e: {  	_ =	swait.ge [sflag:s13], $0x1400  }
0x3f: {  	[sflag:s13] =	ssyncset.done $0x0  }
0x40: {  	[sflag:s13] =	ssyncadd.s32 $0xFFFFEC00  }
0x41: {  	[spmem:s3] =	stream.indirect.scatter.add.f32 [tilespmem:s15], [sflag:$0x2], $0x40, s10, s14, $0xb8;
	[tilespmem:$0x1A040] =	vst v63  }
0x42: {  	s21 =	simm.s32 $0x140  }
0x43: {  	[tilespmem:s22], [sflag:$0x1] =	stream.indirect.gather [hbm4b:s5+s14], $0x40, s21, s14, $0xb8;
	[tilespmem:$0x1A040] =	vst v63  }
0x44: {  	_ =	swait.ge [sflag:s13], $0x1400  }
0x45: {  	[sflag:s13] =	ssyncset.done $0x0  }
0x46: {  	s23 =	simm.s32 $0x4E70;
	[sflag:s13] =	ssyncadd.s32 $0xFFFFEC00  }
0x47: {  	[spmem:s3] =	stream.indirect.scatter.add.f32 [tilespmem:s16], [sflag:$0x2], $0x40, s23, s14, $0xb8;
	[tilespmem:$0x1A040] =	vst v63  }
0x48: {  	_ =	swait.ge [sflag:s25], $0x1400  }
0x49: {  	[sflag:s25] =	ssyncset.done $0x0  }
0x4a: {  	s26 =	simm.s32 $0x190;
	[sflag:s25] =	ssyncadd.s32 $0xFFFFEC00  }
0x4b: {  	[tilespmem:s15], [sflag:$0x1] =	stream.indirect.gather [hbm4b:s5+s14], $0x40, s26, s14, $0xb8;
	[tilespmem:$0x1A040] =	vst v63  }
0x4c: {  	_ =	swait.ge [sflag:s13], $0x1400  }
0x4d: {  	[sflag:s13] =	ssyncset.done $0x0  }
0x4e: {  	s28 =	simm.s32 $0x4EC0;
	[sflag:s13] =	ssyncadd.s32 $0xFFFFEC00  }
0x4f: {  	[spmem:s3] =	stream.indirect.scatter.add.f32 [tilespmem:s18], [sflag:$0x2], $0x40, s28, s14, $0xb8;
	[tilespmem:$0x1A040] =	vst v63  }
0x50: {  	_ =	swait.ge [sflag:s25], $0x1400  }
0x51: {  	[sflag:s25] =	ssyncset.done $0x0  }
0x52: {  	s29 =	simm.s32 $0x1E0;
	[sflag:s25] =	ssyncadd.s32 $0xFFFFEC00  }
0x53: {  	[tilespmem:s16], [sflag:$0x1] =	stream.indirect.gather [hbm4b:s5+s14], $0x40, s29, s14, $0xb8;
	[tilespmem:$0x1A040] =	vst v63  }
0x54: {  	_ =	swait.ge [sflag:s13], $0x1400  }
0x55: {  	[sflag:s13] =	ssyncset.done $0x0  }
0x56: {  	[sflag:s13] =	ssyncadd.s32 $0xFFFFEC00  }
0x57: {  	[spmem:s3] =	stream.indirect.scatter.add.f32 [tilespmem:s20], [sflag:$0x2], $0x40, s30, s14, $0xb8;
	[tilespmem:$0x1A040] =	vst v63  }
0x58: {  	_ =	swait.ge [sflag:s25], $0x1400  }
0x59: {  	[sflag:s25] =	ssyncset.done $0x0  }
0x5a: {  	[sflag:s25] =	ssyncadd.s32 $0xFFFFEC00  }
0x5b: {  	[tilespmem:s18], [sflag:$0x1] =	stream.indirect.gather [hbm4b:s5+s14], $0x40, s31, s14, $0xb8;
	[tilespmem:$0x1A040] =	vst v63  }
0x5c: {  	_ =	swait.ge [sflag:s13], $0x1400  }
0x5d: {  	[sflag:s13] =	ssyncset.done $0x0  }
0x5e: {  	[sflag:s13] =	ssyncadd.s32 $0xFFFFEC00  }
0x5f: {  	[spmem:s3] =	stream.indirect.scatter.add.f32 [tilespmem:s22], [sflag:$0x2], $0x40, s1, s14, $0xb8;
	[tilespmem:$0x1A040] =	vst v63  }
0x60: {  	_ =	swait.ge [sflag:s25], $0x1400  }
0x61: {  	[sflag:s25] =	ssyncset.done $0x0  }
0x62: {  	s17 =	simm.s32 $0x0;
	[sflag:s25] =	ssyncadd.s32 $0xFFFFEC00  }
0x63: {  	[tilespmem:s20], [sflag:$0x1] =	stream.indirect.gather [hbm4b:s5+s14], $0x40, s0, s14, $0xb8;
	[tilespmem:$0x1A040] =	vst v63  }
.LBB2_2:
0x64: {  	_ =	swait.ge [sflag:s13], $0x1400  }
0x65: {  	s19 =	sshra.s32 s17, $0x2;
	[sflag:s13] =	ssyncset.done $0x0  }
0x66: {  	s21 =	sadd.s32 $0x4FB0, s19;
	[sflag:s13] =	ssyncadd.s32 $0xFFFFEC00  }
0x67: {  	[spmem:s3] =	stream.indirect.scatter.add.f32 [tilespmem:s15], [sflag:$0x2], $0x40, s21, s14, $0xb8;
	[tilespmem:$0x1A040] =	vst v63  }
0x68: {  	_ =	swait.ge [sflag:s25], $0x1400  }
0x69: {  	[sflag:s25] =	ssyncset.done $0x0  }
0x6a: {  	s26 =	sadd.s32 $0x2D0, s19;
	[sflag:s25] =	ssyncadd.s32 $0xFFFFEC00  }
0x6b: {  	[tilespmem:s22], [sflag:$0x1] =	stream.indirect.gather [hbm4b:s5+s14], $0x40, s26, s14, $0xb8;
	[tilespmem:$0x1A040] =	vst v63  }
0x6c: {  	_ =	swait.ge [sflag:s13], $0x1400  }
0x6d: {  	p0 =	seq.s32 s17, $0x12C00;
	[sflag:s13] =	ssyncset.done $0x0  }
0x6e: {  	s28 =	sadd.s32 $0x5000, s19;
	s21 =	simm.s32 @p0 $0x1;
	[sflag:s13] =	ssyncadd.s32 $0xFFFFEC00  }
0x6f: {  	[spmem:s3] =	stream.indirect.scatter.add.f32 [tilespmem:s16], [sflag:$0x2], $0x40, s28, s14, $0xb8;
	[tilespmem:$0x1A040] =	vst v63  }
0x70: {  	_ =	swait.ge @p0 [sflag:s21], $0x1400  }
0x71: {  	[sflag:s21] =	ssyncset.done @p0 $0x0  }
0x72: {  	[sflag:s21] =	ssyncadd.s32 @p0 $0xFFFFEC00;
	s21 =	sshra.s32 @p0 s17, $0x2  }
0x73: {  	s23 =	simm.s32 @p0 $0x50;
	s26 =	simm.s32 @p0 $0xC440;
	s21 =	sadd.s32 @p0 $0x5050, s21  }
0x74: {  	[spmem:s3] =	stream.indirect.scatter.add.f32 @p0 [tilespmem:s26], [sflag:$0x2], $0x40, s21, s23, $0xb8;
	[tilespmem:$0x1A040] =	vst v63  }
0x75: {  	s21 =	simm.s32 @!p0 $0x2  }
0x76: {  	_ =	swait.ge @!p0 [sflag:s21], $0x1400  }
0x77: {  	s29 =	simm.s32 @!p0 $0x9C40;
	s23 =	sshra.s32 @!p0 s17, $0x2;
	[sflag:s21] =	ssyncset.done @!p0 $0x0  }
0x78: {  	s28 =	simm.s32 @!p0 $0x50;
	s26 =	sadd.s32 @!p0 $0x320, s23;
	[sflag:s21] =	ssyncadd.s32 @!p0 $0xFFFFEC00  }
0x79: {  	[tilespmem:s29], [sflag:$0x1] =	stream.indirect.gather @!p0 [hbm4b:s5+s28], $0x40, s26, s28, $0xb8;
	[tilespmem:$0x1A040] =	vst v63  }
0x7a: {  	s26 =	simm.s32 @!p0 $0x1  }
0x7b: {  	_ =	swait.ge @!p0 [sflag:s26], $0x1400  }
0x7c: {  	[sflag:s26] =	ssyncset.done @!p0 $0x0  }
0x7d: {  	s29 =	simm.s32 @!p0 $0xC440;
	[sflag:s26] =	ssyncadd.s32 @!p0 $0xFFFFEC00;
	s26 =	sadd.s32 @!p0 $0x5050, s23  }
0x7e: {  	[spmem:s3] =	stream.indirect.scatter.add.f32 @!p0 [tilespmem:s29], [sflag:$0x2], $0x40, s26, s28, $0xb8;
	[tilespmem:$0x1A040] =	vst v63  }
0x7f: {  	_ =	swait.ge @!p0 [sflag:s21], $0x1400  }
0x80: {  	[sflag:s21] =	ssyncset.done @!p0 $0x0  }
0x81: {  	[sflag:s21] =	ssyncadd.s32 @!p0 $0xFFFFEC00;
	s21 =	sadd.s32 @!p0 $0x370, s23;
	s23 =	simm.s32 @!p0 $0xB040  }
0x82: {  	[tilespmem:s23], [sflag:$0x1] =	stream.indirect.gather @!p0 [hbm4b:s5+s28], $0x40, s21, s28, $0xb8;
	[tilespmem:$0x1A040] =	vst v63  }
.Ltmp2:
0x83: {  	_ = 	snop;
	(pc) =	sbr.rel @p0 .LBB2_4-.Ltmp2, $4  }
0x84: {  	_ =	swait.ge [sflag:s13], $0x1400  }
0x85: {  	[sflag:s13] =	ssyncset.done $0x0  }
0x86: {  	s29 =	sadd.s32 $0x50A0, s19;
	s21 =	sadd.s32 $0x50F0, s19;
	[sflag:s13] =	ssyncadd.s32 $0xFFFFEC00  }
0x87: {  	[spmem:s3] =	stream.indirect.scatter.add.f32 [tilespmem:s20], [sflag:$0x2], $0x40, s29, s14, $0xb8;
	[tilespmem:$0x1A040] =	vst v63  }
0x88: {  	_ =	swait.ge [sflag:s25], $0x1400  }
0x89: {  	[sflag:s25] =	ssyncset.done $0x0  }
0x8a: {  	s23 =	sadd.s32 $0x3C0, s19;
	[sflag:s25] =	ssyncadd.s32 $0xFFFFEC00  }
0x8b: {  	[tilespmem:s18], [sflag:$0x1] =	stream.indirect.gather [hbm4b:s5+s14], $0x40, s23, s14, $0xb8;
	[tilespmem:$0x1A040] =	vst v63  }
0x8c: {  	_ =	swait.ge [sflag:s13], $0x1400  }
0x8d: {  	[sflag:s13] =	ssyncset.done $0x0  }
0x8e: {  	[sflag:s13] =	ssyncadd.s32 $0xFFFFEC00  }
0x8f: {  	[spmem:s3] =	stream.indirect.scatter.add.f32 [tilespmem:s22], [sflag:$0x2], $0x40, s21, s14, $0xb8;
	[tilespmem:$0x1A040] =	vst v63  }
.Ltmp3:
0x90: {  	_ = 	snop;
	(pc) =	sbr.rel .LBB2_2-.Ltmp3, $4  }
0x91: {  	_ =	swait.ge [sflag:s25], $0x1400  }
0x92: {  	[sflag:s25] =	ssyncset.done $0x0  }
0x93: {  	s29 =	sadd.s32 $0x410, s19;
	s17 =	sadd.s32 $0x640, s17;
	[sflag:s25] =	ssyncadd.s32 $0xFFFFEC00  }
0x94: {  	[tilespmem:s20], [sflag:$0x1] =	stream.indirect.gather [hbm4b:s5+s14], $0x40, s29, s14, $0xb8;
	[tilespmem:$0x1A040] =	vst v63  }
.LBB2_5:
0x95: {  	_ =	sfence.sel $0x180000  }
0x96: {  	[bflag:$0x0] =	sbarrier.arrive $0xFFFF  }
0x97: {  	_ =	strace $0x90000047  }
0x98: {  	s0 =	stileid.u32;
	[bflag:$0x2] =	sbarrier.arrive $0xFFFF  }
0x99: {  	p0 =	sne.s32 s0, $0x0;
	s0 =	rddreg [dreg:$0x3]  }
0x9a: {  	s0 =	sadd.s32 @!p0 $0x100000, s0  }
0x9b: {  	[sflag:s0] =	ssyncadd.tile.s32 @!p0 $0x1;
	_ =	shalt  }
.Lfunc_end2:
_tile_overlayer_lowered:
.L_overlay_start_2:
0x9c: {  	(tag) =	ssettag $0x2  }
0x9d: {  	s0 =	rddreg [dreg:$0x0];
	s2 =	stileid.u32  }
0x9e: {  	s1 =	rddreg [dreg:$0x1];
	p0 =	sne.s32 s2, $0x0  }
0x9f: {  	s3 =	rddreg [dreg:$0x2];
	[bflag:$0x3] =	sbarrier.arrive $0xFFFF;
	s2 =	simm.s32 @!p0 $0x1C03  }
0xa0: {  	[timem:s3], [sflag:s2] =	dma.local @!p0 [hbm:s0], s1  }
0xa1: {  	s0 =	simm.s32 @!p0 $0x3  }
0xa2: {  	_ =	swait.ge @!p0 [sflag:s0], s1  }
0xa3: {  	s1 =	ssub.s32 @!p0 $0x0, s1;
	[sflag:s0] =	ssyncset.done @!p0 $0x0  }
0xa4: {  	[sflag:s0] =	ssyncadd.s32 @!p0 s1  }
0xa5: {  	[bflag:$0x3] =	sbarrier.arrive $0xFFFF  }
0xa6: {  	_ =	shalt  }

</sc_bundles>
